<compile_context>
chip_gen: v7x
topology: tpu7x:2x2x1
jax: 0.10.2.dev20260603
libtpu: 0.0.44.dev20260713+nightly
codegen_flags: <defaults>
</compile_context>

<pallas_src>
import functools

import jax
import jax.numpy as jnp
from jax import lax
from jax.experimental import pallas as pl
from jax.experimental.pallas import tpu as pltpu
from jax.experimental.pallas import tpu_sc as plsc

BATCH = 16384
EMBED = 64
HIDDEN = 128

NUM_CORES = 2
NUM_SUBCORES = 16
B_PER_W = BATCH // NUM_SUBCORES
CHUNK = 128
NCHUNKS = B_PER_W // CHUNK
NSETS = 4
NQ = CHUNK // NSETS


def _sc_gather(ut_t, mt_t, idx_all):
    mesh = plsc.VectorSubcoreMesh(core_axis_name="c", subcore_axis_name="s",
                                  num_cores=NUM_CORES,
                                  num_subcores=NUM_SUBCORES)

    @functools.partial(
        pl.kernel,
        out_type=jax.ShapeDtypeStruct((NUM_CORES, BATCH, EMBED),
                                      jnp.float32),
        mesh=mesh,
        scratch_types=[
            pltpu.VMEM((B_PER_W + 16,), jnp.int32),
            pltpu.VMEM((NSETS, EMBED, 128), jnp.float32),
            pltpu.VMEM((CHUNK, EMBED), jnp.float32),
            pltpu.SemaphoreType.DMA,
            pltpu.SemaphoreType.DMA,
            pltpu.SemaphoreType.DMA,
            pltpu.SemaphoreType.DMA,
        ],
        compiler_params=pltpu.CompilerParams(needs_layout_passes=False),
    )
    def kern(ut_hbm, mt_hbm, idx_hbm, out_hbm, idx, slab, comb, s0, s1, s2,
             s3):
        c = lax.axis_index("c")
        s = lax.axis_index("s")
        base = s * B_PER_W
        sems = (s0, s1, s2, s3)
        pltpu.sync_copy(idx_hbm.at[c, pl.ds(base, B_PER_W)],
                        idx.at[pl.ds(0, B_PER_W)])
        rows = lax.iota(jnp.int32, 16)

        def fire(r, p, guard):
            def _u():
                off = pl.multiple_of((r >> 7) * 128, 128)
                pltpu.async_copy(ut_hbm.at[:, pl.ds(off, 128)],
                                 slab.at[p], sems[p])

            def _m():
                off = pl.multiple_of((r >> 7) * 128, 128)
                pltpu.async_copy(mt_hbm.at[:, pl.ds(off, 128)],
                                 slab.at[p], sems[p])

            g = True if guard is None else guard
            pl.when(jnp.logical_and(c == 0, g))(_u)
            pl.when(jnp.logical_and(c == 1, g))(_m)

        def wait_and_extract(r, row, p):
            pltpu.make_async_copy(ut_hbm.at[:, pl.ds(0, 128)],
                                  slab.at[p], sems[p]).wait()
            cv = jnp.full((16,), r & 127, jnp.int32)
            ps = jnp.full((16,), p, jnp.int32)
            for g in range(EMBED // 16):
                e = plsc.load_gather(slab, [ps, rows + g * 16, cv])
                comb[row, pl.ds(g * 16, 16)] = e

        vec0 = idx[pl.ds(0, 16)]
        for p in range(NSETS):
            fire(vec0[p], p, None)

        def chunk_body(ch, _):
            def q_body(q, _):
                i0 = ch * CHUNK + q * NSETS
                vec = idx[pl.ds(i0, 16)]
                for j in range(NSETS):
                    wait_and_extract(vec[j], q * NSETS + j, j)
                    fire(vec[NSETS + j], j, i0 + j + NSETS < B_PER_W)
                return 0

            lax.fori_loop(0, NQ, q_body, 0)
            dst = pl.multiple_of(base + ch * CHUNK, CHUNK)
            pltpu.sync_copy(comb, out_hbm.at[c, pl.ds(dst, CHUNK)])
            return 0

        lax.fori_loop(0, NCHUNKS, chunk_body, 0)

    return kern(ut_t, mt_t, idx_all)


def _mlp_block(u_ref, m_ref, w1_ref, b1_ref, w2_ref, b2_ref, o_ref):
    x = u_ref[0] + m_ref[0]
    h = jnp.maximum(
        jnp.dot(x, w1_ref[...], preferred_element_type=jnp.float32)
        + b1_ref[...], 0.0)
    o_ref[...] = (jnp.sum(h * w2_ref[...], axis=1, keepdims=True)
                  + b2_ref[0, 0])


def _tc_mlp(emb, W1, b1, W2, b2):
    nblk = 16
    blk = BATCH // nblk
    return pl.pallas_call(
        _mlp_block,
        grid=(nblk,),
        in_specs=[
            pl.BlockSpec((1, blk, EMBED), lambda i: (0, i, 0)),
            pl.BlockSpec((1, blk, EMBED), lambda i: (1, i, 0)),
            pl.BlockSpec((EMBED, HIDDEN), lambda i: (0, 0)),
            pl.BlockSpec((1, HIDDEN), lambda i: (0, 0)),
            pl.BlockSpec((1, HIDDEN), lambda i: (0, 0)),
            pl.BlockSpec((1, 1), lambda i: (0, 0)),
        ],
        out_specs=pl.BlockSpec((blk, 1), lambda i: (i, 0)),
        out_shape=jax.ShapeDtypeStruct((BATCH, 1), jnp.float32),
    )(emb, emb, W1, b1.reshape(1, HIDDEN), W2.reshape(1, HIDDEN),
      b2.reshape(1, 1))


@jax.jit
def kernel(users, movies, user_table, movie_table, W1, b1, W2, b2):
    ut_t = jnp.transpose(user_table)
    mt_t = jnp.transpose(movie_table)
    idx_all = jnp.stack([users.astype(jnp.int32), movies.astype(jnp.int32)])
    emb = _sc_gather(ut_t, mt_t, idx_all)
    return _tc_mlp(emb, W1, b1, W2, b2)

# --- scband reference (transcript-rebuilt; emitter-appended) ---
"""Pipeline reference for scband-recommendation-system-model-38938173505581 (READ-ONLY COPY).

The authoritative reference and input builder live on the scoring server;
editing this copy changes nothing except your own understanding.
"""

import jax, jax.numpy as jnp
import numpy as np

NUM_USERS = 1000000
NUM_MOVIES = 1000000
EMBED = 64
HIDDEN = 128
BATCH = 16384


def setup_inputs(seed: int = 0) -> dict:
    key = jax.random.key(seed)
    k1, k2, k3, k4, k5, k6, k7, k8 = jax.random.split(key, 8)
    users = jax.random.randint(k1, (BATCH,), 0, NUM_USERS, dtype=jnp.int64 if jax.config.jax_enable_x64 else jnp.int32)
    movies = jax.random.randint(k2, (BATCH,), 0, NUM_MOVIES, dtype=jnp.int64 if jax.config.jax_enable_x64 else jnp.int32)
    user_table = jax.random.normal(k3, (NUM_USERS, EMBED), dtype=jnp.float32)
    movie_table = jax.random.normal(k4, (NUM_MOVIES, EMBED), dtype=jnp.float32)
    # Linear layers (PyTorch default init scale approximated)
    W1 = jax.random.normal(k5, (EMBED, HIDDEN), dtype=jnp.float32) * (1.0 / np.sqrt(EMBED))
    b1 = jax.random.normal(k6, (HIDDEN,), dtype=jnp.float32) * 0.01
    W2 = jax.random.normal(k7, (HIDDEN, 1), dtype=jnp.float32) * (1.0 / np.sqrt(HIDDEN))
    b2 = jax.random.normal(k8, (1,), dtype=jnp.float32) * 0.01
    return {"users": users, "movies": movies, "user_table": user_table,
            "movie_table": movie_table, "W1": W1, "b1": b1, "W2": W2, "b2": b2}


def reference(users, movies, user_table, movie_table, W1, b1, W2, b2):
    # Embedding lookups (gather)
    user_embedded = jnp.take(user_table, users, axis=0)
    movie_embedded = jnp.take(movie_table, movies, axis=0)
    combined = user_embedded + movie_embedded
    # MLP: Linear -> ReLU -> Dropout(eval=identity) -> Linear
    h = jnp.maximum(combined @ W1 + b1, 0.0)
    out = h @ W2 + b2
    return out

if __name__ == "__main__":
    import jax
    _d = setup_inputs()
    print(jax.jit(kernel)(*tuple(_d.values())))

</pallas_src>

<mosaic_0001>
#map = affine_map<(d0, d1) -> (0, 0)>
#map1 = affine_map<(d0, d1) -> (0, 0, 0)>
module attributes {stable_mosaic.version = 14 : i64} {
  func.func @kern(%arg0: i32, %arg1: i32, %arg2: memref<64x1000000xf32, #tpu.memory_space<hbm>>, %arg3: memref<64x1000000xf32, #tpu.memory_space<hbm>>, %arg4: memref<2x16384xi32, #tpu.memory_space<hbm>>, %arg5: memref<2x16384x64xf32, #tpu.memory_space<hbm>>, %arg6: memref<1040xi32, #tpu.memory_space<vmem>>, %arg7: memref<4x64x128xf32, #tpu.memory_space<vmem>>, %arg8: memref<128x64xf32, #tpu.memory_space<vmem>>, %arg9: memref<!tpu.dma_semaphore, #tpu.memory_space<semaphore_mem>>, %arg10: memref<!tpu.dma_semaphore, #tpu.memory_space<semaphore_mem>>, %arg11: memref<!tpu.dma_semaphore, #tpu.memory_space<semaphore_mem>>, %arg12: memref<!tpu.dma_semaphore, #tpu.memory_space<semaphore_mem>>) attributes {dimension_semantics = [#tpu.dimension_semantics<core_parallel>, #tpu.dimension_semantics<subcore_parallel>], iteration_bounds = array<i64: 2, 16>, scalar_prefetch = 0 : i64, scratch_operands = 7 : i64, tpu.core_type = #tpu.core_type<sc_vector_subcore>, window_params = [{transform_indices = #map}, {transform_indices = #map}, {transform_indices = #map}, {transform_indices = #map1}]} {
    %mul3A = arith.constant 1024 : i32
    %mul3A_0 = arith.muli %arg1, %mul3A : i32
    "tpu.region"() ({
      %run_scoped3A = tpu.sem_alloc : memref<!tpu.dma_semaphore, #tpu.memory_space<semaphore_mem>>
      %dma_start3A = arith.constant 0 : i32
      %dma_start3A_66 = tpu.memref_slice %arg6[%dma_start3A] : memref<1040xi32, #tpu.memory_space<vmem>> -> memref<1024xi32, #tpu.memory_space<vmem>>
      %dma_start3A_67 = tpu.memref_slice %arg4[%arg0, %mul3A_0] : memref<2x16384xi32, #tpu.memory_space<hbm>> -> memref<1x1024xi32, #tpu.memory_space<hbm>>
      %dma_start3A_68 = tpu.memref_squeeze %dma_start3A_67 : memref<1x1024xi32, #tpu.memory_space<hbm>> -> memref<1024xi32, #tpu.memory_space<hbm>>
      %dma_start3A_69 = arith.constant 0 : i32
      %dma_start3A_70 = tpu.memref_slice %arg6[%dma_start3A_69] : memref<1040xi32, #tpu.memory_space<vmem>> -> memref<1024xi32, #tpu.memory_space<vmem>>
      %dma_start3A_71 = tpu.memref_slice %arg4[%arg0, %mul3A_0] : memref<2x16384xi32, #tpu.memory_space<hbm>> -> memref<1x1024xi32, #tpu.memory_space<hbm>>
      %dma_start3A_72 = tpu.memref_squeeze %dma_start3A_71 : memref<1x1024xi32, #tpu.memory_space<hbm>> -> memref<1024xi32, #tpu.memory_space<hbm>>
      tpu.enqueue_dma source(%dma_start3A_72 : memref<1024xi32, #tpu.memory_space<hbm>>) target(%dma_start3A_70 : memref<1024xi32, #tpu.memory_space<vmem>>) target_semaphore(%run_scoped3A : memref<!tpu.dma_semaphore, #tpu.memory_space<semaphore_mem>>)
      %dma_wait3A = arith.constant 0 : i32
      %dma_wait3A_73 = tpu.memref_slice %arg6[%dma_wait3A] : memref<1040xi32, #tpu.memory_space<vmem>> -> memref<1024xi32, #tpu.memory_space<vmem>>
      %dma_wait3A_74 = tpu.memref_slice %arg4[%arg0, %mul3A_0] : memref<2x16384xi32, #tpu.memory_space<hbm>> -> memref<1x1024xi32, #tpu.memory_space<hbm>>
      %dma_wait3A_75 = tpu.memref_squeeze %dma_wait3A_74 : memref<1x1024xi32, #tpu.memory_space<hbm>> -> memref<1024xi32, #tpu.memory_space<hbm>>
      %dma_wait3A_76 = arith.constant 0 : i32
      %dma_wait3A_77 = tpu.memref_slice %arg6[%dma_wait3A_76] : memref<1040xi32, #tpu.memory_space<vmem>> -> memref<1024xi32, #tpu.memory_space<vmem>>
      %dma_wait3A_78 = tpu.memref_slice %arg4[%arg0, %mul3A_0] : memref<2x16384xi32, #tpu.memory_space<hbm>> -> memref<1x1024xi32, #tpu.memory_space<hbm>>
      %dma_wait3A_79 = tpu.memref_squeeze %dma_wait3A_78 : memref<1x1024xi32, #tpu.memory_space<hbm>> -> memref<1024xi32, #tpu.memory_space<hbm>>
      tpu.wait_dma2 semaphore(%run_scoped3A : memref<!tpu.dma_semaphore, #tpu.memory_space<semaphore_mem>>) src(%dma_wait3A_79 : memref<1024xi32, #tpu.memory_space<hbm>>) dst(%dma_wait3A_77 : memref<1024xi32, #tpu.memory_space<vmem>>)
      tpu.yield
    }) : () -> ()
    %iota3A = tpu.iota {dimensions = array<i32: 0>} : vector<16xi32>
    %get3A = arith.constant 0 : index
    %get3A_1 = tpu.vector_load %arg6[%get3A] {strides = array<i32>} : memref<1040xi32, #tpu.memory_space<vmem>>, vector<16xi32>,
    %slice3A = vector.extract_strided_slice %get3A_1 {offsets = [0], sizes = [1], strides = [1]} : vector<16xi32> to vector<1xi32>
    %squeeze3A = vector.extract %slice3A[0] : i32 from vector<1xi32>
    %eq3A = arith.constant 0 : i32
    %eq3A_2 = arith.cmpi eq, %arg0, %eq3A : i32
    %and3A = arith.constant true
    %and3A_3 = arith.andi %eq3A_2, %and3A : i1
    %convert_element_type3A = arith.extui %and3A_3 : i1 to i32
    %cond3A = arith.constant 0 : i32
    %cond3A_4 = arith.cmpi ne, %convert_element_type3A, %cond3A : i32
    scf.if %cond3A_4 {
      %shift_right_arithmetic3A = arith.constant 7 : i32
      %shift_right_arithmetic3A_66 = arith.shrsi %squeeze3A, %shift_right_arithmetic3A : i32
      %mul3A_67 = arith.constant 128 : i32
      %mul3A_68 = arith.muli %shift_right_arithmetic3A_66, %mul3A_67 : i32
      %multiple_of3A = tpu.assume_multiple %mul3A_68, 128 : i32
      %dma_start3A = arith.constant 0 : i32
      %dma_start3A_69 = arith.constant 0 : i32
      %dma_start3A_70 = arith.constant 0 : i32
      %dma_start3A_71 = tpu.memref_slice %arg7[%dma_start3A, %dma_start3A_69, %dma_start3A_70] : memref<4x64x128xf32, #tpu.memory_space<vmem>> -> memref<1x64x128xf32, #tpu.memory_space<vmem>>
      %dma_start3A_72 = tpu.memref_squeeze %dma_start3A_71 : memref<1x64x128xf32, #tpu.memory_space<vmem>> -> memref<64x128xf32, #tpu.memory_space<vmem>>
      %dma_start3A_73 = arith.constant 0 : i32
      %dma_start3A_74 = tpu.memref_slice %arg2[%dma_start3A_73, %multiple_of3A] : memref<64x1000000xf32, #tpu.memory_space<hbm>> -> memref<64x128xf32, #tpu.memory_space<hbm>>
      %dma_start3A_75 = arith.constant 0 : i32
      %dma_start3A_76 = arith.constant 0 : i32
      %dma_start3A_77 = tpu.memref_slice %arg7[%dma_start3A, %dma_start3A_75, %dma_start3A_76] : memref<4x64x128xf32, #tpu.memory_space<vmem>> -> memref<1x64x128xf32, #tpu.memory_space<vmem>>
      %dma_start3A_78 = tpu.memref_squeeze %dma_start3A_77 : memref<1x64x128xf32, #tpu.memory_space<vmem>> -> memref<64x128xf32, #tpu.memory_space<vmem>>
      %dma_start3A_79 = arith.constant 0 : i32
      %dma_start3A_80 = tpu.memref_slice %arg2[%dma_start3A_79, %multiple_of3A] : memref<64x1000000xf32, #tpu.memory_space<hbm>> -> memref<64x128xf32, #tpu.memory_space<hbm>>
      tpu.enqueue_dma source(%dma_start3A_80 : memref<64x128xf32, #tpu.memory_space<hbm>>) target(%dma_start3A_78 : memref<64x128xf32, #tpu.memory_space<vmem>>) target_semaphore(%arg9 : memref<!tpu.dma_semaphore, #tpu.memory_space<semaphore_mem>>)
    } else {
    }
    %eq3A_5 = arith.constant 1 : i32
    %eq3A_6 = arith.cmpi eq, %arg0, %eq3A_5 : i32
    %and3A_7 = arith.constant true
    %and3A_8 = arith.andi %eq3A_6, %and3A_7 : i1
    %convert_element_type3A_9 = arith.extui %and3A_8 : i1 to i32
    %cond3A_10 = arith.constant 0 : i32
    %cond3A_11 = arith.cmpi ne, %convert_element_type3A_9, %cond3A_10 : i32
    scf.if %cond3A_11 {
      %shift_right_arithmetic3A = arith.constant 7 : i32
      %shift_right_arithmetic3A_66 = arith.shrsi %squeeze3A, %shift_right_arithmetic3A : i32
      %mul3A_67 = arith.constant 128 : i32
      %mul3A_68 = arith.muli %shift_right_arithmetic3A_66, %mul3A_67 : i32
      %multiple_of3A = tpu.assume_multiple %mul3A_68, 128 : i32
      %dma_start3A = arith.constant 0 : i32
      %dma_start3A_69 = arith.constant 0 : i32
      %dma_start3A_70 = arith.constant 0 : i32
      %dma_start3A_71 = tpu.memref_slice %arg7[%dma_start3A, %dma_start3A_69, %dma_start3A_70] : memref<4x64x128xf32, #tpu.memory_space<vmem>> -> memref<1x64x128xf32, #tpu.memory_space<vmem>>
      %dma_start3A_72 = tpu.memref_squeeze %dma_start3A_71 : memref<1x64x128xf32, #tpu.memory_space<vmem>> -> memref<64x128xf32, #tpu.memory_space<vmem>>
      %dma_start3A_73 = arith.constant 0 : i32
      %dma_start3A_74 = tpu.memref_slice %arg3[%dma_start3A_73, %multiple_of3A] : memref<64x1000000xf32, #tpu.memory_space<hbm>> -> memref<64x128xf32, #tpu.memory_space<hbm>>
      %dma_start3A_75 = arith.constant 0 : i32
      %dma_start3A_76 = arith.constant 0 : i32
      %dma_start3A_77 = tpu.memref_slice %arg7[%dma_start3A, %dma_start3A_75, %dma_start3A_76] : memref<4x64x128xf32, #tpu.memory_space<vmem>> -> memref<1x64x128xf32, #tpu.memory_space<vmem>>
      %dma_start3A_78 = tpu.memref_squeeze %dma_start3A_77 : memref<1x64x128xf32, #tpu.memory_space<vmem>> -> memref<64x128xf32, #tpu.memory_space<vmem>>
      %dma_start3A_79 = arith.constant 0 : i32
      %dma_start3A_80 = tpu.memref_slice %arg3[%dma_start3A_79, %multiple_of3A] : memref<64x1000000xf32, #tpu.memory_space<hbm>> -> memref<64x128xf32, #tpu.memory_space<hbm>>
      tpu.enqueue_dma source(%dma_start3A_80 : memref<64x128xf32, #tpu.memory_space<hbm>>) target(%dma_start3A_78 : memref<64x128xf32, #tpu.memory_space<vmem>>) target_semaphore(%arg9 : memref<!tpu.dma_semaphore, #tpu.memory_space<semaphore_mem>>)
    } else {
    }
    %slice3A_12 = vector.extract_strided_slice %get3A_1 {offsets = [1], sizes = [1], strides = [1]} : vector<16xi32> to vector<1xi32>
    %squeeze3A_13 = vector.extract %slice3A_12[0] : i32 from vector<1xi32>
    %eq3A_14 = arith.constant 0 : i32
    %eq3A_15 = arith.cmpi eq, %arg0, %eq3A_14 : i32
    %and3A_16 = arith.constant true
    %and3A_17 = arith.andi %eq3A_15, %and3A_16 : i1
    %convert_element_type3A_18 = arith.extui %and3A_17 : i1 to i32
    %cond3A_19 = arith.constant 0 : i32
    %cond3A_20 = arith.cmpi ne, %convert_element_type3A_18, %cond3A_19 : i32
    scf.if %cond3A_20 {
      %shift_right_arithmetic3A = arith.constant 7 : i32
      %shift_right_arithmetic3A_66 = arith.shrsi %squeeze3A_13, %shift_right_arithmetic3A : i32
      %mul3A_67 = arith.constant 128 : i32
      %mul3A_68 = arith.muli %shift_right_arithmetic3A_66, %mul3A_67 : i32
      %multiple_of3A = tpu.assume_multiple %mul3A_68, 128 : i32
      %dma_start3A = arith.constant 1 : i32
      %dma_start3A_69 = arith.constant 0 : i32
      %dma_start3A_70 = arith.constant 0 : i32
      %dma_start3A_71 = tpu.memref_slice %arg7[%dma_start3A, %dma_start3A_69, %dma_start3A_70] : memref<4x64x128xf32, #tpu.memory_space<vmem>> -> memref<1x64x128xf32, #tpu.memory_space<vmem>>
      %dma_start3A_72 = tpu.memref_squeeze %dma_start3A_71 : memref<1x64x128xf32, #tpu.memory_space<vmem>> -> memref<64x128xf32, #tpu.memory_space<vmem>>
      %dma_start3A_73 = arith.constant 0 : i32
      %dma_start3A_74 = tpu.memref_slice %arg2[%dma_start3A_73, %multiple_of3A] : memref<64x1000000xf32, #tpu.memory_space<hbm>> -> memref<64x128xf32, #tpu.memory_space<hbm>>
      %dma_start3A_75 = arith.constant 0 : i32
      %dma_start3A_76 = arith.constant 0 : i32
      %dma_start3A_77 = tpu.memref_slice %arg7[%dma_start3A, %dma_start3A_75, %dma_start3A_76] : memref<4x64x128xf32, #tpu.memory_space<vmem>> -> memref<1x64x128xf32, #tpu.memory_space<vmem>>
      %dma_start3A_78 = tpu.memref_squeeze %dma_start3A_77 : memref<1x64x128xf32, #tpu.memory_space<vmem>> -> memref<64x128xf32, #tpu.memory_space<vmem>>
      %dma_start3A_79 = arith.constant 0 : i32
      %dma_start3A_80 = tpu.memref_slice %arg2[%dma_start3A_79, %multiple_of3A] : memref<64x1000000xf32, #tpu.memory_space<hbm>> -> memref<64x128xf32, #tpu.memory_space<hbm>>
      tpu.enqueue_dma source(%dma_start3A_80 : memref<64x128xf32, #tpu.memory_space<hbm>>) target(%dma_start3A_78 : memref<64x128xf32, #tpu.memory_space<vmem>>) target_semaphore(%arg10 : memref<!tpu.dma_semaphore, #tpu.memory_space<semaphore_mem>>)
    } else {
    }
    %eq3A_21 = arith.constant 1 : i32
    %eq3A_22 = arith.cmpi eq, %arg0, %eq3A_21 : i32
    %and3A_23 = arith.constant true
    %and3A_24 = arith.andi %eq3A_22, %and3A_23 : i1
    %convert_element_type3A_25 = arith.extui %and3A_24 : i1 to i32
    %cond3A_26 = arith.constant 0 : i32
    %cond3A_27 = arith.cmpi ne, %convert_element_type3A_25, %cond3A_26 : i32
    scf.if %cond3A_27 {
      %shift_right_arithmetic3A = arith.constant 7 : i32
      %shift_right_arithmetic3A_66 = arith.shrsi %squeeze3A_13, %shift_right_arithmetic3A : i32
      %mul3A_67 = arith.constant 128 : i32
      %mul3A_68 = arith.muli %shift_right_arithmetic3A_66, %mul3A_67 : i32
      %multiple_of3A = tpu.assume_multiple %mul3A_68, 128 : i32
      %dma_start3A = arith.constant 1 : i32
      %dma_start3A_69 = arith.constant 0 : i32
      %dma_start3A_70 = arith.constant 0 : i32
      %dma_start3A_71 = tpu.memref_slice %arg7[%dma_start3A, %dma_start3A_69, %dma_start3A_70] : memref<4x64x128xf32, #tpu.memory_space<vmem>> -> memref<1x64x128xf32, #tpu.memory_space<vmem>>
      %dma_start3A_72 = tpu.memref_squeeze %dma_start3A_71 : memref<1x64x128xf32, #tpu.memory_space<vmem>> -> memref<64x128xf32, #tpu.memory_space<vmem>>
      %dma_start3A_73 = arith.constant 0 : i32
      %dma_start3A_74 = tpu.memref_slice %arg3[%dma_start3A_73, %multiple_of3A] : memref<64x1000000xf32, #tpu.memory_space<hbm>> -> memref<64x128xf32, #tpu.memory_space<hbm>>
      %dma_start3A_75 = arith.constant 0 : i32
      %dma_start3A_76 = arith.constant 0 : i32
      %dma_start3A_77 = tpu.memref_slice %arg7[%dma_start3A, %dma_start3A_75, %dma_start3A_76] : memref<4x64x128xf32, #tpu.memory_space<vmem>> -> memref<1x64x128xf32, #tpu.memory_space<vmem>>
      %dma_start3A_78 = tpu.memref_squeeze %dma_start3A_77 : memref<1x64x128xf32, #tpu.memory_space<vmem>> -> memref<64x128xf32, #tpu.memory_space<vmem>>
      %dma_start3A_79 = arith.constant 0 : i32
      %dma_start3A_80 = tpu.memref_slice %arg3[%dma_start3A_79, %multiple_of3A] : memref<64x1000000xf32, #tpu.memory_space<hbm>> -> memref<64x128xf32, #tpu.memory_space<hbm>>
      tpu.enqueue_dma source(%dma_start3A_80 : memref<64x128xf32, #tpu.memory_space<hbm>>) target(%dma_start3A_78 : memref<64x128xf32, #tpu.memory_space<vmem>>) target_semaphore(%arg10 : memref<!tpu.dma_semaphore, #tpu.memory_space<semaphore_mem>>)
    } else {
    }
    %slice3A_28 = vector.extract_strided_slice %get3A_1 {offsets = [2], sizes = [1], strides = [1]} : vector<16xi32> to vector<1xi32>
    %squeeze3A_29 = vector.extract %slice3A_28[0] : i32 from vector<1xi32>
    %eq3A_30 = arith.constant 0 : i32
    %eq3A_31 = arith.cmpi eq, %arg0, %eq3A_30 : i32
    %and3A_32 = arith.constant true
    %and3A_33 = arith.andi %eq3A_31, %and3A_32 : i1
    %convert_element_type3A_34 = arith.extui %and3A_33 : i1 to i32
    %cond3A_35 = arith.constant 0 : i32
    %cond3A_36 = arith.cmpi ne, %convert_element_type3A_34, %cond3A_35 : i32
    scf.if %cond3A_36 {
      %shift_right_arithmetic3A = arith.constant 7 : i32
      %shift_right_arithmetic3A_66 = arith.shrsi %squeeze3A_29, %shift_right_arithmetic3A : i32
      %mul3A_67 = arith.constant 128 : i32
      %mul3A_68 = arith.muli %shift_right_arithmetic3A_66, %mul3A_67 : i32
      %multiple_of3A = tpu.assume_multiple %mul3A_68, 128 : i32
      %dma_start3A = arith.constant 2 : i32
      %dma_start3A_69 = arith.constant 0 : i32
      %dma_start3A_70 = arith.constant 0 : i32
      %dma_start3A_71 = tpu.memref_slice %arg7[%dma_start3A, %dma_start3A_69, %dma_start3A_70] : memref<4x64x128xf32, #tpu.memory_space<vmem>> -> memref<1x64x128xf32, #tpu.memory_space<vmem>>
      %dma_start3A_72 = tpu.memref_squeeze %dma_start3A_71 : memref<1x64x128xf32, #tpu.memory_space<vmem>> -> memref<64x128xf32, #tpu.memory_space<vmem>>
      %dma_start3A_73 = arith.constant 0 : i32
      %dma_start3A_74 = tpu.memref_slice %arg2[%dma_start3A_73, %multiple_of3A] : memref<64x1000000xf32, #tpu.memory_space<hbm>> -> memref<64x128xf32, #tpu.memory_space<hbm>>
      %dma_start3A_75 = arith.constant 0 : i32
      %dma_start3A_76 = arith.constant 0 : i32
      %dma_start3A_77 = tpu.memref_slice %arg7[%dma_start3A, %dma_start3A_75, %dma_start3A_76] : memref<4x64x128xf32, #tpu.memory_space<vmem>> -> memref<1x64x128xf32, #tpu.memory_space<vmem>>
      %dma_start3A_78 = tpu.memref_squeeze %dma_start3A_77 : memref<1x64x128xf32, #tpu.memory_space<vmem>> -> memref<64x128xf32, #tpu.memory_space<vmem>>
      %dma_start3A_79 = arith.constant 0 : i32
      %dma_start3A_80 = tpu.memref_slice %arg2[%dma_start3A_79, %multiple_of3A] : memref<64x1000000xf32, #tpu.memory_space<hbm>> -> memref<64x128xf32, #tpu.memory_space<hbm>>
      tpu.enqueue_dma source(%dma_start3A_80 : memref<64x128xf32, #tpu.memory_space<hbm>>) target(%dma_start3A_78 : memref<64x128xf32, #tpu.memory_space<vmem>>) target_semaphore(%arg11 : memref<!tpu.dma_semaphore, #tpu.memory_space<semaphore_mem>>)
    } else {
    }
    %eq3A_37 = arith.constant 1 : i32
    %eq3A_38 = arith.cmpi eq, %arg0, %eq3A_37 : i32
    %and3A_39 = arith.constant true
    %and3A_40 = arith.andi %eq3A_38, %and3A_39 : i1
    %convert_element_type3A_41 = arith.extui %and3A_40 : i1 to i32
    %cond3A_42 = arith.constant 0 : i32
    %cond3A_43 = arith.cmpi ne, %convert_element_type3A_41, %cond3A_42 : i32
    scf.if %cond3A_43 {
      %shift_right_arithmetic3A = arith.constant 7 : i32
      %shift_right_arithmetic3A_66 = arith.shrsi %squeeze3A_29, %shift_right_arithmetic3A : i32
      %mul3A_67 = arith.constant 128 : i32
      %mul3A_68 = arith.muli %shift_right_arithmetic3A_66, %mul3A_67 : i32
      %multiple_of3A = tpu.assume_multiple %mul3A_68, 128 : i32
      %dma_start3A = arith.constant 2 : i32
      %dma_start3A_69 = arith.constant 0 : i32
      %dma_start3A_70 = arith.constant 0 : i32
      %dma_start3A_71 = tpu.memref_slice %arg7[%dma_start3A, %dma_start3A_69, %dma_start3A_70] : memref<4x64x128xf32, #tpu.memory_space<vmem>> -> memref<1x64x128xf32, #tpu.memory_space<vmem>>
      %dma_start3A_72 = tpu.memref_squeeze %dma_start3A_71 : memref<1x64x128xf32, #tpu.memory_space<vmem>> -> memref<64x128xf32, #tpu.memory_space<vmem>>
      %dma_start3A_73 = arith.constant 0 : i32
      %dma_start3A_74 = tpu.memref_slice %arg3[%dma_start3A_73, %multiple_of3A] : memref<64x1000000xf32, #tpu.memory_space<hbm>> -> memref<64x128xf32, #tpu.memory_space<hbm>>
      %dma_start3A_75 = arith.constant 0 : i32
      %dma_start3A_76 = arith.constant 0 : i32
      %dma_start3A_77 = tpu.memref_slice %arg7[%dma_start3A, %dma_start3A_75, %dma_start3A_76] : memref<4x64x128xf32, #tpu.memory_space<vmem>> -> memref<1x64x128xf32, #tpu.memory_space<vmem>>
      %dma_start3A_78 = tpu.memref_squeeze %dma_start3A_77 : memref<1x64x128xf32, #tpu.memory_space<vmem>> -> memref<64x128xf32, #tpu.memory_space<vmem>>
      %dma_start3A_79 = arith.constant 0 : i32
      %dma_start3A_80 = tpu.memref_slice %arg3[%dma_start3A_79, %multiple_of3A] : memref<64x1000000xf32, #tpu.memory_space<hbm>> -> memref<64x128xf32, #tpu.memory_space<hbm>>
      tpu.enqueue_dma source(%dma_start3A_80 : memref<64x128xf32, #tpu.memory_space<hbm>>) target(%dma_start3A_78 : memref<64x128xf32, #tpu.memory_space<vmem>>) target_semaphore(%arg11 : memref<!tpu.dma_semaphore, #tpu.memory_space<semaphore_mem>>)
    } else {
    }
    %slice3A_44 = vector.extract_strided_slice %get3A_1 {offsets = [3], sizes = [1], strides = [1]} : vector<16xi32> to vector<1xi32>
    %squeeze3A_45 = vector.extract %slice3A_44[0] : i32 from vector<1xi32>
    %eq3A_46 = arith.constant 0 : i32
    %eq3A_47 = arith.cmpi eq, %arg0, %eq3A_46 : i32
    %and3A_48 = arith.constant true
    %and3A_49 = arith.andi %eq3A_47, %and3A_48 : i1
    %convert_element_type3A_50 = arith.extui %and3A_49 : i1 to i32
    %cond3A_51 = arith.constant 0 : i32
    %cond3A_52 = arith.cmpi ne, %convert_element_type3A_50, %cond3A_51 : i32
    scf.if %cond3A_52 {
      %shift_right_arithmetic3A = arith.constant 7 : i32
      %shift_right_arithmetic3A_66 = arith.shrsi %squeeze3A_45, %shift_right_arithmetic3A : i32
      %mul3A_67 = arith.constant 128 : i32
      %mul3A_68 = arith.muli %shift_right_arithmetic3A_66, %mul3A_67 : i32
      %multiple_of3A = tpu.assume_multiple %mul3A_68, 128 : i32
      %dma_start3A = arith.constant 3 : i32
      %dma_start3A_69 = arith.constant 0 : i32
      %dma_start3A_70 = arith.constant 0 : i32
      %dma_start3A_71 = tpu.memref_slice %arg7[%dma_start3A, %dma_start3A_69, %dma_start3A_70] : memref<4x64x128xf32, #tpu.memory_space<vmem>> -> memref<1x64x128xf32, #tpu.memory_space<vmem>>
      %dma_start3A_72 = tpu.memref_squeeze %dma_start3A_71 : memref<1x64x128xf32, #tpu.memory_space<vmem>> -> memref<64x128xf32, #tpu.memory_space<vmem>>
      %dma_start3A_73 = arith.constant 0 : i32
      %dma_start3A_74 = tpu.memref_slice %arg2[%dma_start3A_73, %multiple_of3A] : memref<64x1000000xf32, #tpu.memory_space<hbm>> -> memref<64x128xf32, #tpu.memory_space<hbm>>
      %dma_start3A_75 = arith.constant 0 : i32
      %dma_start3A_76 = arith.constant 0 : i32
      %dma_start3A_77 = tpu.memref_slice %arg7[%dma_start3A, %dma_start3A_75, %dma_start3A_76] : memref<4x64x128xf32, #tpu.memory_space<vmem>> -> memref<1x64x128xf32, #tpu.memory_space<vmem>>
      %dma_start3A_78 = tpu.memref_squeeze %dma_start3A_77 : memref<1x64x128xf32, #tpu.memory_space<vmem>> -> memref<64x128xf32, #tpu.memory_space<vmem>>
      %dma_start3A_79 = arith.constant 0 : i32
      %dma_start3A_80 = tpu.memref_slice %arg2[%dma_start3A_79, %multiple_of3A] : memref<64x1000000xf32, #tpu.memory_space<hbm>> -> memref<64x128xf32, #tpu.memory_space<hbm>>
      tpu.enqueue_dma source(%dma_start3A_80 : memref<64x128xf32, #tpu.memory_space<hbm>>) target(%dma_start3A_78 : memref<64x128xf32, #tpu.memory_space<vmem>>) target_semaphore(%arg12 : memref<!tpu.dma_semaphore, #tpu.memory_space<semaphore_mem>>)
    } else {
    }
    %eq3A_53 = arith.constant 1 : i32
    %eq3A_54 = arith.cmpi eq, %arg0, %eq3A_53 : i32
    %and3A_55 = arith.constant true
    %and3A_56 = arith.andi %eq3A_54, %and3A_55 : i1
    %convert_element_type3A_57 = arith.extui %and3A_56 : i1 to i32
    %cond3A_58 = arith.constant 0 : i32
    %cond3A_59 = arith.cmpi ne, %convert_element_type3A_57, %cond3A_58 : i32
    scf.if %cond3A_59 {
      %shift_right_arithmetic3A = arith.constant 7 : i32
      %shift_right_arithmetic3A_66 = arith.shrsi %squeeze3A_45, %shift_right_arithmetic3A : i32
      %mul3A_67 = arith.constant 128 : i32
      %mul3A_68 = arith.muli %shift_right_arithmetic3A_66, %mul3A_67 : i32
      %multiple_of3A = tpu.assume_multiple %mul3A_68, 128 : i32
      %dma_start3A = arith.constant 3 : i32
      %dma_start3A_69 = arith.constant 0 : i32
      %dma_start3A_70 = arith.constant 0 : i32
      %dma_start3A_71 = tpu.memref_slice %arg7[%dma_start3A, %dma_start3A_69, %dma_start3A_70] : memref<4x64x128xf32, #tpu.memory_space<vmem>> -> memref<1x64x128xf32, #tpu.memory_space<vmem>>
      %dma_start3A_72 = tpu.memref_squeeze %dma_start3A_71 : memref<1x64x128xf32, #tpu.memory_space<vmem>> -> memref<64x128xf32, #tpu.memory_space<vmem>>
      %dma_start3A_73 = arith.constant 0 : i32
      %dma_start3A_74 = tpu.memref_slice %arg3[%dma_start3A_73, %multiple_of3A] : memref<64x1000000xf32, #tpu.memory_space<hbm>> -> memref<64x128xf32, #tpu.memory_space<hbm>>
      %dma_start3A_75 = arith.constant 0 : i32
      %dma_start3A_76 = arith.constant 0 : i32
      %dma_start3A_77 = tpu.memref_slice %arg7[%dma_start3A, %dma_start3A_75, %dma_start3A_76] : memref<4x64x128xf32, #tpu.memory_space<vmem>> -> memref<1x64x128xf32, #tpu.memory_space<vmem>>
      %dma_start3A_78 = tpu.memref_squeeze %dma_start3A_77 : memref<1x64x128xf32, #tpu.memory_space<vmem>> -> memref<64x128xf32, #tpu.memory_space<vmem>>
      %dma_start3A_79 = arith.constant 0 : i32
      %dma_start3A_80 = tpu.memref_slice %arg3[%dma_start3A_79, %multiple_of3A] : memref<64x1000000xf32, #tpu.memory_space<hbm>> -> memref<64x128xf32, #tpu.memory_space<hbm>>
      tpu.enqueue_dma source(%dma_start3A_80 : memref<64x128xf32, #tpu.memory_space<hbm>>) target(%dma_start3A_78 : memref<64x128xf32, #tpu.memory_space<vmem>>) target_semaphore(%arg12 : memref<!tpu.dma_semaphore, #tpu.memory_space<semaphore_mem>>)
    } else {
    }
    %scan3A = arith.constant 0 : i32
    %scan3A_60 = arith.constant 0 : i32
    %scan3A_61 = arith.constant 8 : i32
    %scan3A_62 = arith.addi %scan3A_60, %scan3A_61 : i32
    %scan3A_63 = arith.constant 1 : i32
    %scan3A_64 = scf.for %scan3A_66 = %scan3A_60 to %scan3A_62 step %scan3A_63 iter_args(%scan3A_67 = %scan3A) -> (i32)  : i32 {
      %scan3A_68 = arith.constant 0 : i32
      %scan3A_69 = arith.constant 0 : i32
      %scan3A_70 = arith.constant 32 : i32
      %scan3A_71 = arith.addi %scan3A_69, %scan3A_70 : i32
      %scan3A_72 = arith.constant 1 : i32
      %scan3A_73 = scf.for %scan3A_78 = %scan3A_69 to %scan3A_71 step %scan3A_72 iter_args(%scan3A_79 = %scan3A_68) -> (i32)  : i32 {
        %mul3A_80 = arith.constant 128 : i32
        %mul3A_81 = arith.muli %scan3A_66, %mul3A_80 : i32
        %mul3A_82 = arith.constant 4 : i32
        %mul3A_83 = arith.muli %scan3A_78, %mul3A_82 : i32
        %add3A_84 = arith.addi %mul3A_81, %mul3A_83 : i32
        %get3A_85 = arith.index_cast %add3A_84 : i32 to index
        %get3A_86 = tpu.vector_load %arg6[%get3A_85] {strides = array<i32>} : memref<1040xi32, #tpu.memory_space<vmem>>, vector<16xi32>,
        %slice3A_87 = vector.extract_strided_slice %get3A_86 {offsets = [0], sizes = [1], strides = [1]} : vector<16xi32> to vector<1xi32>
        %squeeze3A_88 = vector.extract %slice3A_87[0] : i32 from vector<1xi32>
        %mul3A_89 = arith.constant 4 : i32
        %mul3A_90 = arith.muli %scan3A_78, %mul3A_89 : i32
        %add3A_91 = arith.constant 0 : i32
        %add3A_92 = arith.addi %mul3A_90, %add3A_91 : i32
        %dma_wait3A = arith.constant 0 : i32
        %dma_wait3A_93 = arith.constant 0 : i32
        %dma_wait3A_94 = arith.constant 0 : i32
        %dma_wait3A_95 = tpu.memref_slice %arg7[%dma_wait3A, %dma_wait3A_93, %dma_wait3A_94] : memref<4x64x128xf32, #tpu.memory_space<vmem>> -> memref<1x64x128xf32, #tpu.memory_space<vmem>>
        %dma_wait3A_96 = tpu.memref_squeeze %dma_wait3A_95 : memref<1x64x128xf32, #tpu.memory_space<vmem>> -> memref<64x128xf32, #tpu.memory_space<vmem>>
        %dma_wait3A_97 = arith.constant 0 : i32
        %dma_wait3A_98 = arith.constant 0 : i32
        %dma_wait3A_99 = tpu.memref_slice %arg2[%dma_wait3A_97, %dma_wait3A_98] : memref<64x1000000xf32, #tpu.memory_space<hbm>> -> memref<64x128xf32, #tpu.memory_space<hbm>>
        %dma_wait3A_100 = arith.constant 0 : i32
        %dma_wait3A_101 = arith.constant 0 : i32
        %dma_wait3A_102 = tpu.memref_slice %arg7[%dma_wait3A, %dma_wait3A_100, %dma_wait3A_101] : memref<4x64x128xf32, #tpu.memory_space<vmem>> -> memref<1x64x128xf32, #tpu.memory_space<vmem>>
        %dma_wait3A_103 = tpu.memref_squeeze %dma_wait3A_102 : memref<1x64x128xf32, #tpu.memory_space<vmem>> -> memref<64x128xf32, #tpu.memory_space<vmem>>
        %dma_wait3A_104 = arith.constant 0 : i32
        %dma_wait3A_105 = arith.constant 0 : i32
        %dma_wait3A_106 = tpu.memref_slice %arg2[%dma_wait3A_104, %dma_wait3A_105] : memref<64x1000000xf32, #tpu.memory_space<hbm>> -> memref<64x128xf32, #tpu.memory_space<hbm>>
        tpu.wait_dma2 semaphore(%arg9 : memref<!tpu.dma_semaphore, #tpu.memory_space<semaphore_mem>>) src(%dma_wait3A_106 : memref<64x128xf32, #tpu.memory_space<hbm>>) dst(%dma_wait3A_103 : memref<64x128xf32, #tpu.memory_space<vmem>>)
        %and3A_107 = arith.constant 127 : i32
        %and3A_108 = arith.andi %squeeze3A_88, %and3A_107 : i32
        %broadcast_in_dim3A = vector.broadcast %and3A_108 : i32 to vector<16xi32>
        %broadcast_in_dim3A_109 = arith.constant 0 : i32
        %broadcast_in_dim3A_110 = vector.broadcast %broadcast_in_dim3A_109 : i32 to vector<16xi32>
        %add3A_111 = arith.constant 0 : i32
        %add3A_112 = vector.broadcast %add3A_111 : i32 to vector<16xi32>
        %add3A_113 = arith.addi %iota3A, %add3A_112 : vector<16xi32>
        %gather3A = tpu.vector_load_idx %arg7[%broadcast_in_dim3A_110, %add3A_113, %broadcast_in_dim3A] : memref<4x64x128xf32, #tpu.memory_space<vmem>>[vector<16xi32>, vector<16xi32>, vector<16xi32>], vector<16xf32>,
        %swap3A = arith.index_cast %add3A_92 : i32 to index
        %swap3A_114 = arith.constant 0 : index
        %swap3A_115 = tpu.vector_load %arg8[%swap3A, %swap3A_114] {strides = array<i32>} : memref<128x64xf32, #tpu.memory_space<vmem>>, vector<16xf32>,
        tpu.vector_store %arg8[%swap3A, %swap3A_114], %gather3A {strides = array<i32>} : memref<128x64xf32, #tpu.memory_space<vmem>>, vector<16xf32>,
        %add3A_116 = arith.constant 16 : i32
        %add3A_117 = vector.broadcast %add3A_116 : i32 to vector<16xi32>
        %add3A_118 = arith.addi %iota3A, %add3A_117 : vector<16xi32>
        %gather3A_119 = tpu.vector_load_idx %arg7[%broadcast_in_dim3A_110, %add3A_118, %broadcast_in_dim3A] : memref<4x64x128xf32, #tpu.memory_space<vmem>>[vector<16xi32>, vector<16xi32>, vector<16xi32>], vector<16xf32>,
        %swap3A_120 = arith.index_cast %add3A_92 : i32 to index
        %swap3A_121 = arith.constant 16 : index
        %swap3A_122 = tpu.vector_load %arg8[%swap3A_120, %swap3A_121] {strides = array<i32>} : memref<128x64xf32, #tpu.memory_space<vmem>>, vector<16xf32>,
        tpu.vector_store %arg8[%swap3A_120, %swap3A_121], %gather3A_119 {strides = array<i32>} : memref<128x64xf32, #tpu.memory_space<vmem>>, vector<16xf32>,
        %add3A_123 = arith.constant 32 : i32
        %add3A_124 = vector.broadcast %add3A_123 : i32 to vector<16xi32>
        %add3A_125 = arith.addi %iota3A, %add3A_124 : vector<16xi32>
        %gather3A_126 = tpu.vector_load_idx %arg7[%broadcast_in_dim3A_110, %add3A_125, %broadcast_in_dim3A] : memref<4x64x128xf32, #tpu.memory_space<vmem>>[vector<16xi32>, vector<16xi32>, vector<16xi32>], vector<16xf32>,
        %swap3A_127 = arith.index_cast %add3A_92 : i32 to index
        %swap3A_128 = arith.constant 32 : index
        %swap3A_129 = tpu.vector_load %arg8[%swap3A_127, %swap3A_128] {strides = array<i32>} : memref<128x64xf32, #tpu.memory_space<vmem>>, vector<16xf32>,
        tpu.vector_store %arg8[%swap3A_127, %swap3A_128], %gather3A_126 {strides = array<i32>} : memref<128x64xf32, #tpu.memory_space<vmem>>, vector<16xf32>,
        %add3A_130 = arith.constant 48 : i32
        %add3A_131 = vector.broadcast %add3A_130 : i32 to vector<16xi32>
        %add3A_132 = arith.addi %iota3A, %add3A_131 : vector<16xi32>
        %gather3A_133 = tpu.vector_load_idx %arg7[%broadcast_in_dim3A_110, %add3A_132, %broadcast_in_dim3A] : memref<4x64x128xf32, #tpu.memory_space<vmem>>[vector<16xi32>, vector<16xi32>, vector<16xi32>], vector<16xf32>,
        %swap3A_134 = arith.index_cast %add3A_92 : i32 to index
        %swap3A_135 = arith.constant 48 : index
        %swap3A_136 = tpu.vector_load %arg8[%swap3A_134, %swap3A_135] {strides = array<i32>} : memref<128x64xf32, #tpu.memory_space<vmem>>, vector<16xf32>,
        tpu.vector_store %arg8[%swap3A_134, %swap3A_135], %gather3A_133 {strides = array<i32>} : memref<128x64xf32, #tpu.memory_space<vmem>>, vector<16xf32>,
        %slice3A_137 = vector.extract_strided_slice %get3A_86 {offsets = [4], sizes = [1], strides = [1]} : vector<16xi32> to vector<1xi32>
        %squeeze3A_138 = vector.extract %slice3A_137[0] : i32 from vector<1xi32>
        %add3A_139 = arith.constant 0 : i32
        %add3A_140 = arith.addi %add3A_84, %add3A_139 : i32
        %add3A_141 = arith.constant 4 : i32
        %add3A_142 = arith.addi %add3A_140, %add3A_141 : i32
        %lt3A = arith.constant 1024 : i32
        %lt3A_143 = arith.cmpi slt, %add3A_142, %lt3A : i32
        %eq3A_144 = arith.constant 0 : i32
        %eq3A_145 = arith.cmpi eq, %arg0, %eq3A_144 : i32
        %and3A_146 = arith.andi %eq3A_145, %lt3A_143 : i1
        %convert_element_type3A_147 = arith.extui %and3A_146 : i1 to i32
        %cond3A_148 = arith.constant 0 : i32
        %cond3A_149 = arith.cmpi ne, %convert_element_type3A_147, %cond3A_148 : i32
        scf.if %cond3A_149 {
          %shift_right_arithmetic3A = arith.constant 7 : i32
          %shift_right_arithmetic3A_379 = arith.shrsi %squeeze3A_138, %shift_right_arithmetic3A : i32
          %mul3A_380 = arith.constant 128 : i32
          %mul3A_381 = arith.muli %shift_right_arithmetic3A_379, %mul3A_380 : i32
          %multiple_of3A_382 = tpu.assume_multiple %mul3A_381, 128 : i32
          %dma_start3A = arith.constant 0 : i32
          %dma_start3A_383 = arith.constant 0 : i32
          %dma_start3A_384 = arith.constant 0 : i32
          %dma_start3A_385 = tpu.memref_slice %arg7[%dma_start3A, %dma_start3A_383, %dma_start3A_384] : memref<4x64x128xf32, #tpu.memory_space<vmem>> -> memref<1x64x128xf32, #tpu.memory_space<vmem>>
          %dma_start3A_386 = tpu.memref_squeeze %dma_start3A_385 : memref<1x64x128xf32, #tpu.memory_space<vmem>> -> memref<64x128xf32, #tpu.memory_space<vmem>>
          %dma_start3A_387 = arith.constant 0 : i32
          %dma_start3A_388 = tpu.memref_slice %arg2[%dma_start3A_387, %multiple_of3A_382] : memref<64x1000000xf32, #tpu.memory_space<hbm>> -> memref<64x128xf32, #tpu.memory_space<hbm>>
          %dma_start3A_389 = arith.constant 0 : i32
          %dma_start3A_390 = arith.constant 0 : i32
          %dma_start3A_391 = tpu.memref_slice %arg7[%dma_start3A, %dma_start3A_389, %dma_start3A_390] : memref<4x64x128xf32, #tpu.memory_space<vmem>> -> memref<1x64x128xf32, #tpu.memory_space<vmem>>
          %dma_start3A_392 = tpu.memref_squeeze %dma_start3A_391 : memref<1x64x128xf32, #tpu.memory_space<vmem>> -> memref<64x128xf32, #tpu.memory_space<vmem>>
          %dma_start3A_393 = arith.constant 0 : i32
          %dma_start3A_394 = tpu.memref_slice %arg2[%dma_start3A_393, %multiple_of3A_382] : memref<64x1000000xf32, #tpu.memory_space<hbm>> -> memref<64x128xf32, #tpu.memory_space<hbm>>
          tpu.enqueue_dma source(%dma_start3A_394 : memref<64x128xf32, #tpu.memory_space<hbm>>) target(%dma_start3A_392 : memref<64x128xf32, #tpu.memory_space<vmem>>) target_semaphore(%arg9 : memref<!tpu.dma_semaphore, #tpu.memory_space<semaphore_mem>>)
        } else {
        }
        %eq3A_150 = arith.constant 1 : i32
        %eq3A_151 = arith.cmpi eq, %arg0, %eq3A_150 : i32
        %and3A_152 = arith.andi %eq3A_151, %lt3A_143 : i1
        %convert_element_type3A_153 = arith.extui %and3A_152 : i1 to i32
        %cond3A_154 = arith.constant 0 : i32
        %cond3A_155 = arith.cmpi ne, %convert_element_type3A_153, %cond3A_154 : i32
        scf.if %cond3A_155 {
          %shift_right_arithmetic3A = arith.constant 7 : i32
          %shift_right_arithmetic3A_379 = arith.shrsi %squeeze3A_138, %shift_right_arithmetic3A : i32
          %mul3A_380 = arith.constant 128 : i32
          %mul3A_381 = arith.muli %shift_right_arithmetic3A_379, %mul3A_380 : i32
          %multiple_of3A_382 = tpu.assume_multiple %mul3A_381, 128 : i32
          %dma_start3A = arith.constant 0 : i32
          %dma_start3A_383 = arith.constant 0 : i32
          %dma_start3A_384 = arith.constant 0 : i32
          %dma_start3A_385 = tpu.memref_slice %arg7[%dma_start3A, %dma_start3A_383, %dma_start3A_384] : memref<4x64x128xf32, #tpu.memory_space<vmem>> -> memref<1x64x128xf32, #tpu.memory_space<vmem>>
          %dma_start3A_386 = tpu.memref_squeeze %dma_start3A_385 : memref<1x64x128xf32, #tpu.memory_space<vmem>> -> memref<64x128xf32, #tpu.memory_space<vmem>>
          %dma_start3A_387 = arith.constant 0 : i32
          %dma_start3A_388 = tpu.memref_slice %arg3[%dma_start3A_387, %multiple_of3A_382] : memref<64x1000000xf32, #tpu.memory_space<hbm>> -> memref<64x128xf32, #tpu.memory_space<hbm>>
          %dma_start3A_389 = arith.constant 0 : i32
          %dma_start3A_390 = arith.constant 0 : i32
          %dma_start3A_391 = tpu.memref_slice %arg7[%dma_start3A, %dma_start3A_389, %dma_start3A_390] : memref<4x64x128xf32, #tpu.memory_space<vmem>> -> memref<1x64x128xf32, #tpu.memory_space<vmem>>
          %dma_start3A_392 = tpu.memref_squeeze %dma_start3A_391 : memref<1x64x128xf32, #tpu.memory_space<vmem>> -> memref<64x128xf32, #tpu.memory_space<vmem>>
          %dma_start3A_393 = arith.constant 0 : i32
          %dma_start3A_394 = tpu.memref_slice %arg3[%dma_start3A_393, %multiple_of3A_382] : memref<64x1000000xf32, #tpu.memory_space<hbm>> -> memref<64x128xf32, #tpu.memory_space<hbm>>
          tpu.enqueue_dma source(%dma_start3A_394 : memref<64x128xf32, #tpu.memory_space<hbm>>) target(%dma_start3A_392 : memref<64x128xf32, #tpu.memory_space<vmem>>) target_semaphore(%arg9 : memref<!tpu.dma_semaphore, #tpu.memory_space<semaphore_mem>>)
        } else {
        }
        %slice3A_156 = vector.extract_strided_slice %get3A_86 {offsets = [1], sizes = [1], strides = [1]} : vector<16xi32> to vector<1xi32>
        %squeeze3A_157 = vector.extract %slice3A_156[0] : i32 from vector<1xi32>
        %mul3A_158 = arith.constant 4 : i32
        %mul3A_159 = arith.muli %scan3A_78, %mul3A_158 : i32
        %add3A_160 = arith.constant 1 : i32
        %add3A_161 = arith.addi %mul3A_159, %add3A_160 : i32
        %dma_wait3A_162 = arith.constant 1 : i32
        %dma_wait3A_163 = arith.constant 0 : i32
        %dma_wait3A_164 = arith.constant 0 : i32
        %dma_wait3A_165 = tpu.memref_slice %arg7[%dma_wait3A_162, %dma_wait3A_163, %dma_wait3A_164] : memref<4x64x128xf32, #tpu.memory_space<vmem>> -> memref<1x64x128xf32, #tpu.memory_space<vmem>>
        %dma_wait3A_166 = tpu.memref_squeeze %dma_wait3A_165 : memref<1x64x128xf32, #tpu.memory_space<vmem>> -> memref<64x128xf32, #tpu.memory_space<vmem>>
        %dma_wait3A_167 = arith.constant 0 : i32
        %dma_wait3A_168 = arith.constant 0 : i32
        %dma_wait3A_169 = tpu.memref_slice %arg2[%dma_wait3A_167, %dma_wait3A_168] : memref<64x1000000xf32, #tpu.memory_space<hbm>> -> memref<64x128xf32, #tpu.memory_space<hbm>>
        %dma_wait3A_170 = arith.constant 0 : i32
        %dma_wait3A_171 = arith.constant 0 : i32
        %dma_wait3A_172 = tpu.memref_slice %arg7[%dma_wait3A_162, %dma_wait3A_170, %dma_wait3A_171] : memref<4x64x128xf32, #tpu.memory_space<vmem>> -> memref<1x64x128xf32, #tpu.memory_space<vmem>>
        %dma_wait3A_173 = tpu.memref_squeeze %dma_wait3A_172 : memref<1x64x128xf32, #tpu.memory_space<vmem>> -> memref<64x128xf32, #tpu.memory_space<vmem>>
        %dma_wait3A_174 = arith.constant 0 : i32
        %dma_wait3A_175 = arith.constant 0 : i32
        %dma_wait3A_176 = tpu.memref_slice %arg2[%dma_wait3A_174, %dma_wait3A_175] : memref<64x1000000xf32, #tpu.memory_space<hbm>> -> memref<64x128xf32, #tpu.memory_space<hbm>>
        tpu.wait_dma2 semaphore(%arg10 : memref<!tpu.dma_semaphore, #tpu.memory_space<semaphore_mem>>) src(%dma_wait3A_176 : memref<64x128xf32, #tpu.memory_space<hbm>>) dst(%dma_wait3A_173 : memref<64x128xf32, #tpu.memory_space<vmem>>)
        %and3A_177 = arith.constant 127 : i32
        %and3A_178 = arith.andi %squeeze3A_157, %and3A_177 : i32
        %broadcast_in_dim3A_179 = vector.broadcast %and3A_178 : i32 to vector<16xi32>
        %broadcast_in_dim3A_180 = arith.constant 1 : i32
        %broadcast_in_dim3A_181 = vector.broadcast %broadcast_in_dim3A_180 : i32 to vector<16xi32>
        %add3A_182 = arith.constant 0 : i32
        %add3A_183 = vector.broadcast %add3A_182 : i32 to vector<16xi32>
        %add3A_184 = arith.addi %iota3A, %add3A_183 : vector<16xi32>
        %gather3A_185 = tpu.vector_load_idx %arg7[%broadcast_in_dim3A_181, %add3A_184, %broadcast_in_dim3A_179] : memref<4x64x128xf32, #tpu.memory_space<vmem>>[vector<16xi32>, vector<16xi32>, vector<16xi32>], vector<16xf32>,
        %swap3A_186 = arith.index_cast %add3A_161 : i32 to index
        %swap3A_187 = arith.constant 0 : index
        %swap3A_188 = tpu.vector_load %arg8[%swap3A_186, %swap3A_187] {strides = array<i32>} : memref<128x64xf32, #tpu.memory_space<vmem>>, vector<16xf32>,
        tpu.vector_store %arg8[%swap3A_186, %swap3A_187], %gather3A_185 {strides = array<i32>} : memref<128x64xf32, #tpu.memory_space<vmem>>, vector<16xf32>,
        %add3A_189 = arith.constant 16 : i32
        %add3A_190 = vector.broadcast %add3A_189 : i32 to vector<16xi32>
        %add3A_191 = arith.addi %iota3A, %add3A_190 : vector<16xi32>
        %gather3A_192 = tpu.vector_load_idx %arg7[%broadcast_in_dim3A_181, %add3A_191, %broadcast_in_dim3A_179] : memref<4x64x128xf32, #tpu.memory_space<vmem>>[vector<16xi32>, vector<16xi32>, vector<16xi32>], vector<16xf32>,
        %swap3A_193 = arith.index_cast %add3A_161 : i32 to index
        %swap3A_194 = arith.constant 16 : index
        %swap3A_195 = tpu.vector_load %arg8[%swap3A_193, %swap3A_194] {strides = array<i32>} : memref<128x64xf32, #tpu.memory_space<vmem>>, vector<16xf32>,
        tpu.vector_store %arg8[%swap3A_193, %swap3A_194], %gather3A_192 {strides = array<i32>} : memref<128x64xf32, #tpu.memory_space<vmem>>, vector<16xf32>,
        %add3A_196 = arith.constant 32 : i32
        %add3A_197 = vector.broadcast %add3A_196 : i32 to vector<16xi32>
        %add3A_198 = arith.addi %iota3A, %add3A_197 : vector<16xi32>
        %gather3A_199 = tpu.vector_load_idx %arg7[%broadcast_in_dim3A_181, %add3A_198, %broadcast_in_dim3A_179] : memref<4x64x128xf32, #tpu.memory_space<vmem>>[vector<16xi32>, vector<16xi32>, vector<16xi32>], vector<16xf32>,
        %swap3A_200 = arith.index_cast %add3A_161 : i32 to index
        %swap3A_201 = arith.constant 32 : index
        %swap3A_202 = tpu.vector_load %arg8[%swap3A_200, %swap3A_201] {strides = array<i32>} : memref<128x64xf32, #tpu.memory_space<vmem>>, vector<16xf32>,
        tpu.vector_store %arg8[%swap3A_200, %swap3A_201], %gather3A_199 {strides = array<i32>} : memref<128x64xf32, #tpu.memory_space<vmem>>, vector<16xf32>,
        %add3A_203 = arith.constant 48 : i32
        %add3A_204 = vector.broadcast %add3A_203 : i32 to vector<16xi32>
        %add3A_205 = arith.addi %iota3A, %add3A_204 : vector<16xi32>
        %gather3A_206 = tpu.vector_load_idx %arg7[%broadcast_in_dim3A_181, %add3A_205, %broadcast_in_dim3A_179] : memref<4x64x128xf32, #tpu.memory_space<vmem>>[vector<16xi32>, vector<16xi32>, vector<16xi32>], vector<16xf32>,
        %swap3A_207 = arith.index_cast %add3A_161 : i32 to index
        %swap3A_208 = arith.constant 48 : index
        %swap3A_209 = tpu.vector_load %arg8[%swap3A_207, %swap3A_208] {strides = array<i32>} : memref<128x64xf32, #tpu.memory_space<vmem>>, vector<16xf32>,
        tpu.vector_store %arg8[%swap3A_207, %swap3A_208], %gather3A_206 {strides = array<i32>} : memref<128x64xf32, #tpu.memory_space<vmem>>, vector<16xf32>,
        %slice3A_210 = vector.extract_strided_slice %get3A_86 {offsets = [5], sizes = [1], strides = [1]} : vector<16xi32> to vector<1xi32>
        %squeeze3A_211 = vector.extract %slice3A_210[0] : i32 from vector<1xi32>
        %add3A_212 = arith.constant 1 : i32
        %add3A_213 = arith.addi %add3A_84, %add3A_212 : i32
        %add3A_214 = arith.constant 4 : i32
        %add3A_215 = arith.addi %add3A_213, %add3A_214 : i32
        %lt3A_216 = arith.constant 1024 : i32
        %lt3A_217 = arith.cmpi slt, %add3A_215, %lt3A_216 : i32
        %eq3A_218 = arith.constant 0 : i32
        %eq3A_219 = arith.cmpi eq, %arg0, %eq3A_218 : i32
        %and3A_220 = arith.andi %eq3A_219, %lt3A_217 : i1
        %convert_element_type3A_221 = arith.extui %and3A_220 : i1 to i32
        %cond3A_222 = arith.constant 0 : i32
        %cond3A_223 = arith.cmpi ne, %convert_element_type3A_221, %cond3A_222 : i32
        scf.if %cond3A_223 {
          %shift_right_arithmetic3A = arith.constant 7 : i32
          %shift_right_arithmetic3A_379 = arith.shrsi %squeeze3A_211, %shift_right_arithmetic3A : i32
          %mul3A_380 = arith.constant 128 : i32
          %mul3A_381 = arith.muli %shift_right_arithmetic3A_379, %mul3A_380 : i32
          %multiple_of3A_382 = tpu.assume_multiple %mul3A_381, 128 : i32
          %dma_start3A = arith.constant 1 : i32
          %dma_start3A_383 = arith.constant 0 : i32
          %dma_start3A_384 = arith.constant 0 : i32
          %dma_start3A_385 = tpu.memref_slice %arg7[%dma_start3A, %dma_start3A_383, %dma_start3A_384] : memref<4x64x128xf32, #tpu.memory_space<vmem>> -> memref<1x64x128xf32, #tpu.memory_space<vmem>>
          %dma_start3A_386 = tpu.memref_squeeze %dma_start3A_385 : memref<1x64x128xf32, #tpu.memory_space<vmem>> -> memref<64x128xf32, #tpu.memory_space<vmem>>
          %dma_start3A_387 = arith.constant 0 : i32
          %dma_start3A_388 = tpu.memref_slice %arg2[%dma_start3A_387, %multiple_of3A_382] : memref<64x1000000xf32, #tpu.memory_space<hbm>> -> memref<64x128xf32, #tpu.memory_space<hbm>>
          %dma_start3A_389 = arith.constant 0 : i32
          %dma_start3A_390 = arith.constant 0 : i32
          %dma_start3A_391 = tpu.memref_slice %arg7[%dma_start3A, %dma_start3A_389, %dma_start3A_390] : memref<4x64x128xf32, #tpu.memory_space<vmem>> -> memref<1x64x128xf32, #tpu.memory_space<vmem>>
          %dma_start3A_392 = tpu.memref_squeeze %dma_start3A_391 : memref<1x64x128xf32, #tpu.memory_space<vmem>> -> memref<64x128xf32, #tpu.memory_space<vmem>>
          %dma_start3A_393 = arith.constant 0 : i32
          %dma_start3A_394 = tpu.memref_slice %arg2[%dma_start3A_393, %multiple_of3A_382] : memref<64x1000000xf32, #tpu.memory_space<hbm>> -> memref<64x128xf32, #tpu.memory_space<hbm>>
          tpu.enqueue_dma source(%dma_start3A_394 : memref<64x128xf32, #tpu.memory_space<hbm>>) target(%dma_start3A_392 : memref<64x128xf32, #tpu.memory_space<vmem>>) target_semaphore(%arg10 : memref<!tpu.dma_semaphore, #tpu.memory_space<semaphore_mem>>)
        } else {
        }
        %eq3A_224 = arith.constant 1 : i32
        %eq3A_225 = arith.cmpi eq, %arg0, %eq3A_224 : i32
        %and3A_226 = arith.andi %eq3A_225, %lt3A_217 : i1
        %convert_element_type3A_227 = arith.extui %and3A_226 : i1 to i32
        %cond3A_228 = arith.constant 0 : i32
        %cond3A_229 = arith.cmpi ne, %convert_element_type3A_227, %cond3A_228 : i32
        scf.if %cond3A_229 {
          %shift_right_arithmetic3A = arith.constant 7 : i32
          %shift_right_arithmetic3A_379 = arith.shrsi %squeeze3A_211, %shift_right_arithmetic3A : i32
          %mul3A_380 = arith.constant 128 : i32
          %mul3A_381 = arith.muli %shift_right_arithmetic3A_379, %mul3A_380 : i32
          %multiple_of3A_382 = tpu.assume_multiple %mul3A_381, 128 : i32
          %dma_start3A = arith.constant 1 : i32
          %dma_start3A_383 = arith.constant 0 : i32
          %dma_start3A_384 = arith.constant 0 : i32
          %dma_start3A_385 = tpu.memref_slice %arg7[%dma_start3A, %dma_start3A_383, %dma_start3A_384] : memref<4x64x128xf32, #tpu.memory_space<vmem>> -> memref<1x64x128xf32, #tpu.memory_space<vmem>>
          %dma_start3A_386 = tpu.memref_squeeze %dma_start3A_385 : memref<1x64x128xf32, #tpu.memory_space<vmem>> -> memref<64x128xf32, #tpu.memory_space<vmem>>
          %dma_start3A_387 = arith.constant 0 : i32
          %dma_start3A_388 = tpu.memref_slice %arg3[%dma_start3A_387, %multiple_of3A_382] : memref<64x1000000xf32, #tpu.memory_space<hbm>> -> memref<64x128xf32, #tpu.memory_space<hbm>>
          %dma_start3A_389 = arith.constant 0 : i32
          %dma_start3A_390 = arith.constant 0 : i32
          %dma_start3A_391 = tpu.memref_slice %arg7[%dma_start3A, %dma_start3A_389, %dma_start3A_390] : memref<4x64x128xf32, #tpu.memory_space<vmem>> -> memref<1x64x128xf32, #tpu.memory_space<vmem>>
          %dma_start3A_392 = tpu.memref_squeeze %dma_start3A_391 : memref<1x64x128xf32, #tpu.memory_space<vmem>> -> memref<64x128xf32, #tpu.memory_space<vmem>>
          %dma_start3A_393 = arith.constant 0 : i32
          %dma_start3A_394 = tpu.memref_slice %arg3[%dma_start3A_393, %multiple_of3A_382] : memref<64x1000000xf32, #tpu.memory_space<hbm>> -> memref<64x128xf32, #tpu.memory_space<hbm>>
          tpu.enqueue_dma source(%dma_start3A_394 : memref<64x128xf32, #tpu.memory_space<hbm>>) target(%dma_start3A_392 : memref<64x128xf32, #tpu.memory_space<vmem>>) target_semaphore(%arg10 : memref<!tpu.dma_semaphore, #tpu.memory_space<semaphore_mem>>)
        } else {
        }
        %slice3A_230 = vector.extract_strided_slice %get3A_86 {offsets = [2], sizes = [1], strides = [1]} : vector<16xi32> to vector<1xi32>
        %squeeze3A_231 = vector.extract %slice3A_230[0] : i32 from vector<1xi32>
        %mul3A_232 = arith.constant 4 : i32
        %mul3A_233 = arith.muli %scan3A_78, %mul3A_232 : i32
        %add3A_234 = arith.constant 2 : i32
        %add3A_235 = arith.addi %mul3A_233, %add3A_234 : i32
        %dma_wait3A_236 = arith.constant 2 : i32
        %dma_wait3A_237 = arith.constant 0 : i32
        %dma_wait3A_238 = arith.constant 0 : i32
        %dma_wait3A_239 = tpu.memref_slice %arg7[%dma_wait3A_236, %dma_wait3A_237, %dma_wait3A_238] : memref<4x64x128xf32, #tpu.memory_space<vmem>> -> memref<1x64x128xf32, #tpu.memory_space<vmem>>
        %dma_wait3A_240 = tpu.memref_squeeze %dma_wait3A_239 : memref<1x64x128xf32, #tpu.memory_space<vmem>> -> memref<64x128xf32, #tpu.memory_space<vmem>>
        %dma_wait3A_241 = arith.constant 0 : i32
        %dma_wait3A_242 = arith.constant 0 : i32
        %dma_wait3A_243 = tpu.memref_slice %arg2[%dma_wait3A_241, %dma_wait3A_242] : memref<64x1000000xf32, #tpu.memory_space<hbm>> -> memref<64x128xf32, #tpu.memory_space<hbm>>
        %dma_wait3A_244 = arith.constant 0 : i32
        %dma_wait3A_245 = arith.constant 0 : i32
        %dma_wait3A_246 = tpu.memref_slice %arg7[%dma_wait3A_236, %dma_wait3A_244, %dma_wait3A_245] : memref<4x64x128xf32, #tpu.memory_space<vmem>> -> memref<1x64x128xf32, #tpu.memory_space<vmem>>
        %dma_wait3A_247 = tpu.memref_squeeze %dma_wait3A_246 : memref<1x64x128xf32, #tpu.memory_space<vmem>> -> memref<64x128xf32, #tpu.memory_space<vmem>>
        %dma_wait3A_248 = arith.constant 0 : i32
        %dma_wait3A_249 = arith.constant 0 : i32
        %dma_wait3A_250 = tpu.memref_slice %arg2[%dma_wait3A_248, %dma_wait3A_249] : memref<64x1000000xf32, #tpu.memory_space<hbm>> -> memref<64x128xf32, #tpu.memory_space<hbm>>
        tpu.wait_dma2 semaphore(%arg11 : memref<!tpu.dma_semaphore, #tpu.memory_space<semaphore_mem>>) src(%dma_wait3A_250 : memref<64x128xf32, #tpu.memory_space<hbm>>) dst(%dma_wait3A_247 : memref<64x128xf32, #tpu.memory_space<vmem>>)
        %and3A_251 = arith.constant 127 : i32
        %and3A_252 = arith.andi %squeeze3A_231, %and3A_251 : i32
        %broadcast_in_dim3A_253 = vector.broadcast %and3A_252 : i32 to vector<16xi32>
        %broadcast_in_dim3A_254 = arith.constant 2 : i32
        %broadcast_in_dim3A_255 = vector.broadcast %broadcast_in_dim3A_254 : i32 to vector<16xi32>
        %add3A_256 = arith.constant 0 : i32
        %add3A_257 = vector.broadcast %add3A_256 : i32 to vector<16xi32>
        %add3A_258 = arith.addi %iota3A, %add3A_257 : vector<16xi32>
        %gather3A_259 = tpu.vector_load_idx %arg7[%broadcast_in_dim3A_255, %add3A_258, %broadcast_in_dim3A_253] : memref<4x64x128xf32, #tpu.memory_space<vmem>>[vector<16xi32>, vector<16xi32>, vector<16xi32>], vector<16xf32>,
        %swap3A_260 = arith.index_cast %add3A_235 : i32 to index
        %swap3A_261 = arith.constant 0 : index
        %swap3A_262 = tpu.vector_load %arg8[%swap3A_260, %swap3A_261] {strides = array<i32>} : memref<128x64xf32, #tpu.memory_space<vmem>>, vector<16xf32>,
        tpu.vector_store %arg8[%swap3A_260, %swap3A_261], %gather3A_259 {strides = array<i32>} : memref<128x64xf32, #tpu.memory_space<vmem>>, vector<16xf32>,
        %add3A_263 = arith.constant 16 : i32
        %add3A_264 = vector.broadcast %add3A_263 : i32 to vector<16xi32>
        %add3A_265 = arith.addi %iota3A, %add3A_264 : vector<16xi32>
        %gather3A_266 = tpu.vector_load_idx %arg7[%broadcast_in_dim3A_255, %add3A_265, %broadcast_in_dim3A_253] : memref<4x64x128xf32, #tpu.memory_space<vmem>>[vector<16xi32>, vector<16xi32>, vector<16xi32>], vector<16xf32>,
        %swap3A_267 = arith.index_cast %add3A_235 : i32 to index
        %swap3A_268 = arith.constant 16 : index
        %swap3A_269 = tpu.vector_load %arg8[%swap3A_267, %swap3A_268] {strides = array<i32>} : memref<128x64xf32, #tpu.memory_space<vmem>>, vector<16xf32>,
        tpu.vector_store %arg8[%swap3A_267, %swap3A_268], %gather3A_266 {strides = array<i32>} : memref<128x64xf32, #tpu.memory_space<vmem>>, vector<16xf32>,
        %add3A_270 = arith.constant 32 : i32
        %add3A_271 = vector.broadcast %add3A_270 : i32 to vector<16xi32>
        %add3A_272 = arith.addi %iota3A, %add3A_271 : vector<16xi32>
        %gather3A_273 = tpu.vector_load_idx %arg7[%broadcast_in_dim3A_255, %add3A_272, %broadcast_in_dim3A_253] : memref<4x64x128xf32, #tpu.memory_space<vmem>>[vector<16xi32>, vector<16xi32>, vector<16xi32>], vector<16xf32>,
        %swap3A_274 = arith.index_cast %add3A_235 : i32 to index
        %swap3A_275 = arith.constant 32 : index
        %swap3A_276 = tpu.vector_load %arg8[%swap3A_274, %swap3A_275] {strides = array<i32>} : memref<128x64xf32, #tpu.memory_space<vmem>>, vector<16xf32>,
        tpu.vector_store %arg8[%swap3A_274, %swap3A_275], %gather3A_273 {strides = array<i32>} : memref<128x64xf32, #tpu.memory_space<vmem>>, vector<16xf32>,
        %add3A_277 = arith.constant 48 : i32
        %add3A_278 = vector.broadcast %add3A_277 : i32 to vector<16xi32>
        %add3A_279 = arith.addi %iota3A, %add3A_278 : vector<16xi32>
        %gather3A_280 = tpu.vector_load_idx %arg7[%broadcast_in_dim3A_255, %add3A_279, %broadcast_in_dim3A_253] : memref<4x64x128xf32, #tpu.memory_space<vmem>>[vector<16xi32>, vector<16xi32>, vector<16xi32>], vector<16xf32>,
        %swap3A_281 = arith.index_cast %add3A_235 : i32 to index
        %swap3A_282 = arith.constant 48 : index
        %swap3A_283 = tpu.vector_load %arg8[%swap3A_281, %swap3A_282] {strides = array<i32>} : memref<128x64xf32, #tpu.memory_space<vmem>>, vector<16xf32>,
        tpu.vector_store %arg8[%swap3A_281, %swap3A_282], %gather3A_280 {strides = array<i32>} : memref<128x64xf32, #tpu.memory_space<vmem>>, vector<16xf32>,
        %slice3A_284 = vector.extract_strided_slice %get3A_86 {offsets = [6], sizes = [1], strides = [1]} : vector<16xi32> to vector<1xi32>
        %squeeze3A_285 = vector.extract %slice3A_284[0] : i32 from vector<1xi32>
        %add3A_286 = arith.constant 2 : i32
        %add3A_287 = arith.addi %add3A_84, %add3A_286 : i32
        %add3A_288 = arith.constant 4 : i32
        %add3A_289 = arith.addi %add3A_287, %add3A_288 : i32
        %lt3A_290 = arith.constant 1024 : i32
        %lt3A_291 = arith.cmpi slt, %add3A_289, %lt3A_290 : i32
        %eq3A_292 = arith.constant 0 : i32
        %eq3A_293 = arith.cmpi eq, %arg0, %eq3A_292 : i32
        %and3A_294 = arith.andi %eq3A_293, %lt3A_291 : i1
        %convert_element_type3A_295 = arith.extui %and3A_294 : i1 to i32
        %cond3A_296 = arith.constant 0 : i32
        %cond3A_297 = arith.cmpi ne, %convert_element_type3A_295, %cond3A_296 : i32
        scf.if %cond3A_297 {
          %shift_right_arithmetic3A = arith.constant 7 : i32
          %shift_right_arithmetic3A_379 = arith.shrsi %squeeze3A_285, %shift_right_arithmetic3A : i32
          %mul3A_380 = arith.constant 128 : i32
          %mul3A_381 = arith.muli %shift_right_arithmetic3A_379, %mul3A_380 : i32
          %multiple_of3A_382 = tpu.assume_multiple %mul3A_381, 128 : i32
          %dma_start3A = arith.constant 2 : i32
          %dma_start3A_383 = arith.constant 0 : i32
          %dma_start3A_384 = arith.constant 0 : i32
          %dma_start3A_385 = tpu.memref_slice %arg7[%dma_start3A, %dma_start3A_383, %dma_start3A_384] : memref<4x64x128xf32, #tpu.memory_space<vmem>> -> memref<1x64x128xf32, #tpu.memory_space<vmem>>
          %dma_start3A_386 = tpu.memref_squeeze %dma_start3A_385 : memref<1x64x128xf32, #tpu.memory_space<vmem>> -> memref<64x128xf32, #tpu.memory_space<vmem>>
          %dma_start3A_387 = arith.constant 0 : i32
          %dma_start3A_388 = tpu.memref_slice %arg2[%dma_start3A_387, %multiple_of3A_382] : memref<64x1000000xf32, #tpu.memory_space<hbm>> -> memref<64x128xf32, #tpu.memory_space<hbm>>
          %dma_start3A_389 = arith.constant 0 : i32
          %dma_start3A_390 = arith.constant 0 : i32
          %dma_start3A_391 = tpu.memref_slice %arg7[%dma_start3A, %dma_start3A_389, %dma_start3A_390] : memref<4x64x128xf32, #tpu.memory_space<vmem>> -> memref<1x64x128xf32, #tpu.memory_space<vmem>>
          %dma_start3A_392 = tpu.memref_squeeze %dma_start3A_391 : memref<1x64x128xf32, #tpu.memory_space<vmem>> -> memref<64x128xf32, #tpu.memory_space<vmem>>
          %dma_start3A_393 = arith.constant 0 : i32
          %dma_start3A_394 = tpu.memref_slice %arg2[%dma_start3A_393, %multiple_of3A_382] : memref<64x1000000xf32, #tpu.memory_space<hbm>> -> memref<64x128xf32, #tpu.memory_space<hbm>>
          tpu.enqueue_dma source(%dma_start3A_394 : memref<64x128xf32, #tpu.memory_space<hbm>>) target(%dma_start3A_392 : memref<64x128xf32, #tpu.memory_space<vmem>>) target_semaphore(%arg11 : memref<!tpu.dma_semaphore, #tpu.memory_space<semaphore_mem>>)
        } else {
        }
        %eq3A_298 = arith.constant 1 : i32
        %eq3A_299 = arith.cmpi eq, %arg0, %eq3A_298 : i32
        %and3A_300 = arith.andi %eq3A_299, %lt3A_291 : i1
        %convert_element_type3A_301 = arith.extui %and3A_300 : i1 to i32
        %cond3A_302 = arith.constant 0 : i32
        %cond3A_303 = arith.cmpi ne, %convert_element_type3A_301, %cond3A_302 : i32
        scf.if %cond3A_303 {
          %shift_right_arithmetic3A = arith.constant 7 : i32
          %shift_right_arithmetic3A_379 = arith.shrsi %squeeze3A_285, %shift_right_arithmetic3A : i32
          %mul3A_380 = arith.constant 128 : i32
          %mul3A_381 = arith.muli %shift_right_arithmetic3A_379, %mul3A_380 : i32
          %multiple_of3A_382 = tpu.assume_multiple %mul3A_381, 128 : i32
          %dma_start3A = arith.constant 2 : i32
          %dma_start3A_383 = arith.constant 0 : i32
          %dma_start3A_384 = arith.constant 0 : i32
          %dma_start3A_385 = tpu.memref_slice %arg7[%dma_start3A, %dma_start3A_383, %dma_start3A_384] : memref<4x64x128xf32, #tpu.memory_space<vmem>> -> memref<1x64x128xf32, #tpu.memory_space<vmem>>
          %dma_start3A_386 = tpu.memref_squeeze %dma_start3A_385 : memref<1x64x128xf32, #tpu.memory_space<vmem>> -> memref<64x128xf32, #tpu.memory_space<vmem>>
          %dma_start3A_387 = arith.constant 0 : i32
          %dma_start3A_388 = tpu.memref_slice %arg3[%dma_start3A_387, %multiple_of3A_382] : memref<64x1000000xf32, #tpu.memory_space<hbm>> -> memref<64x128xf32, #tpu.memory_space<hbm>>
          %dma_start3A_389 = arith.constant 0 : i32
          %dma_start3A_390 = arith.constant 0 : i32
          %dma_start3A_391 = tpu.memref_slice %arg7[%dma_start3A, %dma_start3A_389, %dma_start3A_390] : memref<4x64x128xf32, #tpu.memory_space<vmem>> -> memref<1x64x128xf32, #tpu.memory_space<vmem>>
          %dma_start3A_392 = tpu.memref_squeeze %dma_start3A_391 : memref<1x64x128xf32, #tpu.memory_space<vmem>> -> memref<64x128xf32, #tpu.memory_space<vmem>>
          %dma_start3A_393 = arith.constant 0 : i32
          %dma_start3A_394 = tpu.memref_slice %arg3[%dma_start3A_393, %multiple_of3A_382] : memref<64x1000000xf32, #tpu.memory_space<hbm>> -> memref<64x128xf32, #tpu.memory_space<hbm>>
          tpu.enqueue_dma source(%dma_start3A_394 : memref<64x128xf32, #tpu.memory_space<hbm>>) target(%dma_start3A_392 : memref<64x128xf32, #tpu.memory_space<vmem>>) target_semaphore(%arg11 : memref<!tpu.dma_semaphore, #tpu.memory_space<semaphore_mem>>)
        } else {
        }
        %slice3A_304 = vector.extract_strided_slice %get3A_86 {offsets = [3], sizes = [1], strides = [1]} : vector<16xi32> to vector<1xi32>
        %squeeze3A_305 = vector.extract %slice3A_304[0] : i32 from vector<1xi32>
        %mul3A_306 = arith.constant 4 : i32
        %mul3A_307 = arith.muli %scan3A_78, %mul3A_306 : i32
        %add3A_308 = arith.constant 3 : i32
        %add3A_309 = arith.addi %mul3A_307, %add3A_308 : i32
        %dma_wait3A_310 = arith.constant 3 : i32
        %dma_wait3A_311 = arith.constant 0 : i32
        %dma_wait3A_312 = arith.constant 0 : i32
        %dma_wait3A_313 = tpu.memref_slice %arg7[%dma_wait3A_310, %dma_wait3A_311, %dma_wait3A_312] : memref<4x64x128xf32, #tpu.memory_space<vmem>> -> memref<1x64x128xf32, #tpu.memory_space<vmem>>
        %dma_wait3A_314 = tpu.memref_squeeze %dma_wait3A_313 : memref<1x64x128xf32, #tpu.memory_space<vmem>> -> memref<64x128xf32, #tpu.memory_space<vmem>>
        %dma_wait3A_315 = arith.constant 0 : i32
        %dma_wait3A_316 = arith.constant 0 : i32
        %dma_wait3A_317 = tpu.memref_slice %arg2[%dma_wait3A_315, %dma_wait3A_316] : memref<64x1000000xf32, #tpu.memory_space<hbm>> -> memref<64x128xf32, #tpu.memory_space<hbm>>
        %dma_wait3A_318 = arith.constant 0 : i32
        %dma_wait3A_319 = arith.constant 0 : i32
        %dma_wait3A_320 = tpu.memref_slice %arg7[%dma_wait3A_310, %dma_wait3A_318, %dma_wait3A_319] : memref<4x64x128xf32, #tpu.memory_space<vmem>> -> memref<1x64x128xf32, #tpu.memory_space<vmem>>
        %dma_wait3A_321 = tpu.memref_squeeze %dma_wait3A_320 : memref<1x64x128xf32, #tpu.memory_space<vmem>> -> memref<64x128xf32, #tpu.memory_space<vmem>>
        %dma_wait3A_322 = arith.constant 0 : i32
        %dma_wait3A_323 = arith.constant 0 : i32
        %dma_wait3A_324 = tpu.memref_slice %arg2[%dma_wait3A_322, %dma_wait3A_323] : memref<64x1000000xf32, #tpu.memory_space<hbm>> -> memref<64x128xf32, #tpu.memory_space<hbm>>
        tpu.wait_dma2 semaphore(%arg12 : memref<!tpu.dma_semaphore, #tpu.memory_space<semaphore_mem>>) src(%dma_wait3A_324 : memref<64x128xf32, #tpu.memory_space<hbm>>) dst(%dma_wait3A_321 : memref<64x128xf32, #tpu.memory_space<vmem>>)
        %and3A_325 = arith.constant 127 : i32
        %and3A_326 = arith.andi %squeeze3A_305, %and3A_325 : i32
        %broadcast_in_dim3A_327 = vector.broadcast %and3A_326 : i32 to vector<16xi32>
        %broadcast_in_dim3A_328 = arith.constant 3 : i32
        %broadcast_in_dim3A_329 = vector.broadcast %broadcast_in_dim3A_328 : i32 to vector<16xi32>
        %add3A_330 = arith.constant 0 : i32
        %add3A_331 = vector.broadcast %add3A_330 : i32 to vector<16xi32>
        %add3A_332 = arith.addi %iota3A, %add3A_331 : vector<16xi32>
        %gather3A_333 = tpu.vector_load_idx %arg7[%broadcast_in_dim3A_329, %add3A_332, %broadcast_in_dim3A_327] : memref<4x64x128xf32, #tpu.memory_space<vmem>>[vector<16xi32>, vector<16xi32>, vector<16xi32>], vector<16xf32>,
        %swap3A_334 = arith.index_cast %add3A_309 : i32 to index
        %swap3A_335 = arith.constant 0 : index
        %swap3A_336 = tpu.vector_load %arg8[%swap3A_334, %swap3A_335] {strides = array<i32>} : memref<128x64xf32, #tpu.memory_space<vmem>>, vector<16xf32>,
        tpu.vector_store %arg8[%swap3A_334, %swap3A_335], %gather3A_333 {strides = array<i32>} : memref<128x64xf32, #tpu.memory_space<vmem>>, vector<16xf32>,
        %add3A_337 = arith.constant 16 : i32
        %add3A_338 = vector.broadcast %add3A_337 : i32 to vector<16xi32>
        %add3A_339 = arith.addi %iota3A, %add3A_338 : vector<16xi32>
        %gather3A_340 = tpu.vector_load_idx %arg7[%broadcast_in_dim3A_329, %add3A_339, %broadcast_in_dim3A_327] : memref<4x64x128xf32, #tpu.memory_space<vmem>>[vector<16xi32>, vector<16xi32>, vector<16xi32>], vector<16xf32>,
        %swap3A_341 = arith.index_cast %add3A_309 : i32 to index
        %swap3A_342 = arith.constant 16 : index
        %swap3A_343 = tpu.vector_load %arg8[%swap3A_341, %swap3A_342] {strides = array<i32>} : memref<128x64xf32, #tpu.memory_space<vmem>>, vector<16xf32>,
        tpu.vector_store %arg8[%swap3A_341, %swap3A_342], %gather3A_340 {strides = array<i32>} : memref<128x64xf32, #tpu.memory_space<vmem>>, vector<16xf32>,
        %add3A_344 = arith.constant 32 : i32
        %add3A_345 = vector.broadcast %add3A_344 : i32 to vector<16xi32>
        %add3A_346 = arith.addi %iota3A, %add3A_345 : vector<16xi32>
        %gather3A_347 = tpu.vector_load_idx %arg7[%broadcast_in_dim3A_329, %add3A_346, %broadcast_in_dim3A_327] : memref<4x64x128xf32, #tpu.memory_space<vmem>>[vector<16xi32>, vector<16xi32>, vector<16xi32>], vector<16xf32>,
        %swap3A_348 = arith.index_cast %add3A_309 : i32 to index
        %swap3A_349 = arith.constant 32 : index
        %swap3A_350 = tpu.vector_load %arg8[%swap3A_348, %swap3A_349] {strides = array<i32>} : memref<128x64xf32, #tpu.memory_space<vmem>>, vector<16xf32>,
        tpu.vector_store %arg8[%swap3A_348, %swap3A_349], %gather3A_347 {strides = array<i32>} : memref<128x64xf32, #tpu.memory_space<vmem>>, vector<16xf32>,
        %add3A_351 = arith.constant 48 : i32
        %add3A_352 = vector.broadcast %add3A_351 : i32 to vector<16xi32>
        %add3A_353 = arith.addi %iota3A, %add3A_352 : vector<16xi32>
        %gather3A_354 = tpu.vector_load_idx %arg7[%broadcast_in_dim3A_329, %add3A_353, %broadcast_in_dim3A_327] : memref<4x64x128xf32, #tpu.memory_space<vmem>>[vector<16xi32>, vector<16xi32>, vector<16xi32>], vector<16xf32>,
        %swap3A_355 = arith.index_cast %add3A_309 : i32 to index
        %swap3A_356 = arith.constant 48 : index
        %swap3A_357 = tpu.vector_load %arg8[%swap3A_355, %swap3A_356] {strides = array<i32>} : memref<128x64xf32, #tpu.memory_space<vmem>>, vector<16xf32>,
        tpu.vector_store %arg8[%swap3A_355, %swap3A_356], %gather3A_354 {strides = array<i32>} : memref<128x64xf32, #tpu.memory_space<vmem>>, vector<16xf32>,
        %slice3A_358 = vector.extract_strided_slice %get3A_86 {offsets = [7], sizes = [1], strides = [1]} : vector<16xi32> to vector<1xi32>
        %squeeze3A_359 = vector.extract %slice3A_358[0] : i32 from vector<1xi32>
        %add3A_360 = arith.constant 3 : i32
        %add3A_361 = arith.addi %add3A_84, %add3A_360 : i32
        %add3A_362 = arith.constant 4 : i32
        %add3A_363 = arith.addi %add3A_361, %add3A_362 : i32
        %lt3A_364 = arith.constant 1024 : i32
        %lt3A_365 = arith.cmpi slt, %add3A_363, %lt3A_364 : i32
        %eq3A_366 = arith.constant 0 : i32
        %eq3A_367 = arith.cmpi eq, %arg0, %eq3A_366 : i32
        %and3A_368 = arith.andi %eq3A_367, %lt3A_365 : i1
        %convert_element_type3A_369 = arith.extui %and3A_368 : i1 to i32
        %cond3A_370 = arith.constant 0 : i32
        %cond3A_371 = arith.cmpi ne, %convert_element_type3A_369, %cond3A_370 : i32
        scf.if %cond3A_371 {
          %shift_right_arithmetic3A = arith.constant 7 : i32
          %shift_right_arithmetic3A_379 = arith.shrsi %squeeze3A_359, %shift_right_arithmetic3A : i32
          %mul3A_380 = arith.constant 128 : i32
          %mul3A_381 = arith.muli %shift_right_arithmetic3A_379, %mul3A_380 : i32
          %multiple_of3A_382 = tpu.assume_multiple %mul3A_381, 128 : i32
          %dma_start3A = arith.constant 3 : i32
          %dma_start3A_383 = arith.constant 0 : i32
          %dma_start3A_384 = arith.constant 0 : i32
          %dma_start3A_385 = tpu.memref_slice %arg7[%dma_start3A, %dma_start3A_383, %dma_start3A_384] : memref<4x64x128xf32, #tpu.memory_space<vmem>> -> memref<1x64x128xf32, #tpu.memory_space<vmem>>
          %dma_start3A_386 = tpu.memref_squeeze %dma_start3A_385 : memref<1x64x128xf32, #tpu.memory_space<vmem>> -> memref<64x128xf32, #tpu.memory_space<vmem>>
          %dma_start3A_387 = arith.constant 0 : i32
          %dma_start3A_388 = tpu.memref_slice %arg2[%dma_start3A_387, %multiple_of3A_382] : memref<64x1000000xf32, #tpu.memory_space<hbm>> -> memref<64x128xf32, #tpu.memory_space<hbm>>
          %dma_start3A_389 = arith.constant 0 : i32
          %dma_start3A_390 = arith.constant 0 : i32
          %dma_start3A_391 = tpu.memref_slice %arg7[%dma_start3A, %dma_start3A_389, %dma_start3A_390] : memref<4x64x128xf32, #tpu.memory_space<vmem>> -> memref<1x64x128xf32, #tpu.memory_space<vmem>>
          %dma_start3A_392 = tpu.memref_squeeze %dma_start3A_391 : memref<1x64x128xf32, #tpu.memory_space<vmem>> -> memref<64x128xf32, #tpu.memory_space<vmem>>
          %dma_start3A_393 = arith.constant 0 : i32
          %dma_start3A_394 = tpu.memref_slice %arg2[%dma_start3A_393, %multiple_of3A_382] : memref<64x1000000xf32, #tpu.memory_space<hbm>> -> memref<64x128xf32, #tpu.memory_space<hbm>>
          tpu.enqueue_dma source(%dma_start3A_394 : memref<64x128xf32, #tpu.memory_space<hbm>>) target(%dma_start3A_392 : memref<64x128xf32, #tpu.memory_space<vmem>>) target_semaphore(%arg12 : memref<!tpu.dma_semaphore, #tpu.memory_space<semaphore_mem>>)
        } else {
        }
        %eq3A_372 = arith.constant 1 : i32
        %eq3A_373 = arith.cmpi eq, %arg0, %eq3A_372 : i32
        %and3A_374 = arith.andi %eq3A_373, %lt3A_365 : i1
        %convert_element_type3A_375 = arith.extui %and3A_374 : i1 to i32
        %cond3A_376 = arith.constant 0 : i32
        %cond3A_377 = arith.cmpi ne, %convert_element_type3A_375, %cond3A_376 : i32
        scf.if %cond3A_377 {
          %shift_right_arithmetic3A = arith.constant 7 : i32
          %shift_right_arithmetic3A_379 = arith.shrsi %squeeze3A_359, %shift_right_arithmetic3A : i32
          %mul3A_380 = arith.constant 128 : i32
          %mul3A_381 = arith.muli %shift_right_arithmetic3A_379, %mul3A_380 : i32
          %multiple_of3A_382 = tpu.assume_multiple %mul3A_381, 128 : i32
          %dma_start3A = arith.constant 3 : i32
          %dma_start3A_383 = arith.constant 0 : i32
          %dma_start3A_384 = arith.constant 0 : i32
          %dma_start3A_385 = tpu.memref_slice %arg7[%dma_start3A, %dma_start3A_383, %dma_start3A_384] : memref<4x64x128xf32, #tpu.memory_space<vmem>> -> memref<1x64x128xf32, #tpu.memory_space<vmem>>
          %dma_start3A_386 = tpu.memref_squeeze %dma_start3A_385 : memref<1x64x128xf32, #tpu.memory_space<vmem>> -> memref<64x128xf32, #tpu.memory_space<vmem>>
          %dma_start3A_387 = arith.constant 0 : i32
          %dma_start3A_388 = tpu.memref_slice %arg3[%dma_start3A_387, %multiple_of3A_382] : memref<64x1000000xf32, #tpu.memory_space<hbm>> -> memref<64x128xf32, #tpu.memory_space<hbm>>
          %dma_start3A_389 = arith.constant 0 : i32
          %dma_start3A_390 = arith.constant 0 : i32
          %dma_start3A_391 = tpu.memref_slice %arg7[%dma_start3A, %dma_start3A_389, %dma_start3A_390] : memref<4x64x128xf32, #tpu.memory_space<vmem>> -> memref<1x64x128xf32, #tpu.memory_space<vmem>>
          %dma_start3A_392 = tpu.memref_squeeze %dma_start3A_391 : memref<1x64x128xf32, #tpu.memory_space<vmem>> -> memref<64x128xf32, #tpu.memory_space<vmem>>
          %dma_start3A_393 = arith.constant 0 : i32
          %dma_start3A_394 = tpu.memref_slice %arg3[%dma_start3A_393, %multiple_of3A_382] : memref<64x1000000xf32, #tpu.memory_space<hbm>> -> memref<64x128xf32, #tpu.memory_space<hbm>>
          tpu.enqueue_dma source(%dma_start3A_394 : memref<64x128xf32, #tpu.memory_space<hbm>>) target(%dma_start3A_392 : memref<64x128xf32, #tpu.memory_space<vmem>>) target_semaphore(%arg12 : memref<!tpu.dma_semaphore, #tpu.memory_space<semaphore_mem>>)
        } else {
        }
        %scan3A_378 = arith.constant 0 : i32
        scf.yield %scan3A_378 : i32
      }
      %scan3A_74 = arith.constant 32 : i32
      %mul3A_75 = arith.constant 128 : i32
      %mul3A_76 = arith.muli %scan3A_66, %mul3A_75 : i32
      %add3A = arith.addi %mul3A_0, %mul3A_76 : i32
      %multiple_of3A = tpu.assume_multiple %add3A, 128 : i32
      "tpu.region"() ({
        %run_scoped3A = tpu.sem_alloc : memref<!tpu.dma_semaphore, #tpu.memory_space<semaphore_mem>>
        %dma_start3A = arith.constant 0 : i32
        %dma_start3A_78 = tpu.memref_slice %arg5[%arg0, %multiple_of3A, %dma_start3A] : memref<2x16384x64xf32, #tpu.memory_space<hbm>> -> memref<1x128x64xf32, #tpu.memory_space<hbm>>
        %dma_start3A_79 = tpu.memref_squeeze %dma_start3A_78 : memref<1x128x64xf32, #tpu.memory_space<hbm>> -> memref<128x64xf32, #tpu.memory_space<hbm>>
        %dma_start3A_80 = arith.constant 0 : i32
        %dma_start3A_81 = tpu.memref_slice %arg5[%arg0, %multiple_of3A, %dma_start3A_80] : memref<2x16384x64xf32, #tpu.memory_space<hbm>> -> memref<1x128x64xf32, #tpu.memory_space<hbm>>
        %dma_start3A_82 = tpu.memref_squeeze %dma_start3A_81 : memref<1x128x64xf32, #tpu.memory_space<hbm>> -> memref<128x64xf32, #tpu.memory_space<hbm>>
        tpu.enqueue_dma source(%arg8 : memref<128x64xf32, #tpu.memory_space<vmem>>) target(%dma_start3A_82 : memref<128x64xf32, #tpu.memory_space<hbm>>) target_semaphore(%run_scoped3A : memref<!tpu.dma_semaphore, #tpu.memory_space<semaphore_mem>>)
        %dma_wait3A = arith.constant 0 : i32
        %dma_wait3A_83 = tpu.memref_slice %arg5[%arg0, %multiple_of3A, %dma_wait3A] : memref<2x16384x64xf32, #tpu.memory_space<hbm>> -> memref<1x128x64xf32, #tpu.memory_space<hbm>>
        %dma_wait3A_84 = tpu.memref_squeeze %dma_wait3A_83 : memref<1x128x64xf32, #tpu.memory_space<hbm>> -> memref<128x64xf32, #tpu.memory_space<hbm>>
        %dma_wait3A_85 = arith.constant 0 : i32
        %dma_wait3A_86 = tpu.memref_slice %arg5[%arg0, %multiple_of3A, %dma_wait3A_85] : memref<2x16384x64xf32, #tpu.memory_space<hbm>> -> memref<1x128x64xf32, #tpu.memory_space<hbm>>
        %dma_wait3A_87 = tpu.memref_squeeze %dma_wait3A_86 : memref<1x128x64xf32, #tpu.memory_space<hbm>> -> memref<128x64xf32, #tpu.memory_space<hbm>>
        tpu.wait_dma2 semaphore(%run_scoped3A : memref<!tpu.dma_semaphore, #tpu.memory_space<semaphore_mem>>) src(%arg8 : memref<128x64xf32, #tpu.memory_space<vmem>>) dst(%dma_wait3A_87 : memref<128x64xf32, #tpu.memory_space<hbm>>)
        tpu.yield
      }) : () -> ()
      %scan3A_77 = arith.constant 0 : i32
      scf.yield %scan3A_77 : i32
    }
    %scan3A_65 = arith.constant 8 : i32
    return
  }
}

module attributes {stable_mosaic.version = 14 : i64} {
  func.func @_mlp_block(%arg0: i32, %arg1: memref<1x1024x64xf32, #tpu.memory_space<vmem>>, %arg2: memref<1x1024x64xf32, #tpu.memory_space<vmem>>, %arg3: memref<64x128xf32, #tpu.memory_space<vmem>>, %arg4: memref<1x128xf32, #tpu.memory_space<vmem>>, %arg5: memref<1x128xf32, #tpu.memory_space<vmem>>, %arg6: memref<1x1xf32, #tpu.memory_space<vmem>>, %arg7: memref<1024x1xf32, #tpu.memory_space<vmem>>) attributes {dimension_semantics = [#tpu.dimension_semantics<arbitrary>], iteration_bounds = array<i64: 16>, scalar_prefetch = 0 : i64, scratch_operands = 0 : i64, tpu.core_type = #tpu.core_type<tc>, window_params = [{transform_indices = @transform_0, window_bounds = array<i64: 1, 1024, 64>}, {transform_indices = @transform_1, window_bounds = array<i64: 1, 1024, 64>}, {pipeline_mode = #tpu.pipeline_mode<synchronous>, transform_indices = @transform_2, window_bounds = array<i64: 64, 128>}, {pipeline_mode = #tpu.pipeline_mode<synchronous>, transform_indices = @transform_3, window_bounds = array<i64: 1, 128>}, {pipeline_mode = #tpu.pipeline_mode<synchronous>, transform_indices = @transform_4, window_bounds = array<i64: 1, 128>}, {pipeline_mode = #tpu.pipeline_mode<synchronous>, transform_indices = @transform_5, window_bounds = array<i64: 1, 1>}, {transform_indices = @transform_6, window_bounds = array<i64: 1024, 1>}]} {
    %get3A = arith.constant 0 : index
    %get3A_0 = arith.constant 0 : index
    %get3A_1 = arith.constant 0 : index
    %get3A_2 = vector.load %arg1[%get3A, %get3A_0, %get3A_1] : memref<1x1024x64xf32, #tpu.memory_space<vmem>>, vector<1x1024x64xf32>
    %get3A_3 = vector.shape_cast %get3A_2 : vector<1x1024x64xf32> to vector<1024x64xf32>
    %get3A_4 = arith.constant 0 : index
    %get3A_5 = arith.constant 0 : index
    %get3A_6 = arith.constant 0 : index
    %get3A_7 = vector.load %arg2[%get3A_4, %get3A_5, %get3A_6] : memref<1x1024x64xf32, #tpu.memory_space<vmem>>, vector<1x1024x64xf32>
    %get3A_8 = vector.shape_cast %get3A_7 : vector<1x1024x64xf32> to vector<1024x64xf32>
    %add3A = arith.addf %get3A_3, %get3A_8 : vector<1024x64xf32>
    %get3A_9 = arith.constant 0 : index
    %get3A_10 = arith.constant 0 : index
    %get3A_11 = vector.load %arg3[%get3A_9, %get3A_10] : memref<64x128xf32, #tpu.memory_space<vmem>>, vector<64x128xf32>
    %dot_general3A = arith.constant dense<0.000000e+00> : vector<1024x128xf32>
    %dot_general3A_12 = tpu.matmul %add3A, %get3A_11, %dot_general3A {dimension_numbers = #tpu.dot_dimension_numbers<[1], [0], [0], [1], [0, 0, 1, 1], [], []>, transpose_lhs_hint = false} : vector<1024x64xf32>, vector<64x128xf32>, vector<1024x128xf32> -> vector<1024x128xf32>
    %get3A_13 = arith.constant 0 : index
    %get3A_14 = arith.constant 0 : index
    %get3A_15 = vector.load %arg4[%get3A_13, %get3A_14] : memref<1x128xf32, #tpu.memory_space<vmem>>, vector<1x128xf32>
    %add3A_16 = vector.broadcast %get3A_15 : vector<1x128xf32> to vector<1024x128xf32>
    %add3A_17 = arith.addf %dot_general3A_12, %add3A_16 : vector<1024x128xf32>
    %max3A = arith.constant 0.000000e+00 : f32
    %max3A_18 = vector.broadcast %max3A : f32 to vector<1024x128xf32>
    %max3A_19 = arith.maximumf %add3A_17, %max3A_18 : vector<1024x128xf32>
    %get3A_20 = arith.constant 0 : index
    %get3A_21 = arith.constant 0 : index
    %get3A_22 = vector.load %arg5[%get3A_20, %get3A_21] : memref<1x128xf32, #tpu.memory_space<vmem>>, vector<1x128xf32>
    %mul3A = vector.broadcast %get3A_22 : vector<1x128xf32> to vector<1024x128xf32>
    %mul3A_23 = arith.mulf %max3A_19, %mul3A : vector<1024x128xf32>
    %reduce_sum3A = arith.constant dense<0.000000e+00> : vector<1024xf32>
    %reduce_sum3A_24 = vector.multi_reduction <add>, %mul3A_23, %reduce_sum3A [1] : vector<1024x128xf32> to vector<1024xf32>
    %broadcast_in_dim3A = vector.shape_cast %reduce_sum3A_24 : vector<1024xf32> to vector<1024x1xf32>
    %get3A_25 = arith.constant 0 : index
    %get3A_26 = arith.constant 0 : index
    %get3A_27 = vector.load %arg6[%get3A_25, %get3A_26] : memref<1x1xf32, #tpu.memory_space<vmem>>, vector<1x1xf32>
    %get3A_28 = vector.extract %get3A_27[0, 0] : f32 from vector<1x1xf32>
    %add3A_29 = vector.broadcast %get3A_28 : f32 to vector<1024x1xf32>
    %add3A_30 = arith.addf %broadcast_in_dim3A, %add3A_29 : vector<1024x1xf32>
    %swap3A = arith.constant 0 : index
    %swap3A_31 = arith.constant 0 : index
    %swap3A_32 = vector.load %arg7[%swap3A, %swap3A_31] : memref<1024x1xf32, #tpu.memory_space<vmem>>, vector<1024x1xf32>
    tpu.vector_store %arg7[%swap3A, %swap3A_31], %add3A_30 {strides = array<i32>} : memref<1024x1xf32, #tpu.memory_space<vmem>>, vector<1024x1xf32>,
    return
  }
  func.func @transform_0(%arg0: i32) -> (i32, i32, i32) {
    %c0_i32 = arith.constant 0 : i32
    %c0_i32_0 = arith.constant 0 : i32
    %c0_i32_1 = arith.constant 0 : i32
    return %c0_i32, %arg0, %c0_i32_0 : i32, i32, i32
  }
  func.func @transform_1(%arg0: i32) -> (i32, i32, i32) {
    %c1_i32 = arith.constant 1 : i32
    %c0_i32 = arith.constant 0 : i32
    %c0_i32_0 = arith.constant 0 : i32
    return %c1_i32, %arg0, %c0_i32 : i32, i32, i32
  }
  func.func @transform_2(%arg0: i32) -> (i32, i32) {
    %c0_i32 = arith.constant 0 : i32
    %c0_i32_0 = arith.constant 0 : i32
    %c0_i32_1 = arith.constant 0 : i32
    return %c0_i32, %c0_i32_0 : i32, i32
  }
  func.func @transform_3(%arg0: i32) -> (i32, i32) {
    %c0_i32 = arith.constant 0 : i32
    %c0_i32_0 = arith.constant 0 : i32
    %c0_i32_1 = arith.constant 0 : i32
    return %c0_i32, %c0_i32_0 : i32, i32
  }
  func.func @transform_4(%arg0: i32) -> (i32, i32) {
    %c0_i32 = arith.constant 0 : i32
    %c0_i32_0 = arith.constant 0 : i32
    %c0_i32_1 = arith.constant 0 : i32
    return %c0_i32, %c0_i32_0 : i32, i32
  }
  func.func @transform_5(%arg0: i32) -> (i32, i32) {
    %c0_i32 = arith.constant 0 : i32
    %c0_i32_0 = arith.constant 0 : i32
    %c0_i32_1 = arith.constant 0 : i32
    return %c0_i32, %c0_i32_0 : i32, i32
  }
  func.func @transform_6(%arg0: i32) -> (i32, i32) {
    %c0_i32 = arith.constant 0 : i32
    %c0_i32_0 = arith.constant 0 : i32
    return %arg0, %c0_i32 : i32, i32
  }
}

</mosaic_0001>

<sc_bundles>
// kernel: kernel.4.cloned.1.call-start
scs
__scs_entry_jumppad:
0x0: {  	(pc) =	sbr.rel $0x88, $3  }
0x1: {  	(tag) =	ssettag $0x0;
	lr =	simm.s32 $0x1  }
0x2: {  	[smem:$0x3F99] =	sst lr;
	_ =	strace $0xD0000000  }
0x3: {  	_ = 	snop  }
0x4: {  	_ = 	snop  }
0x5: {  	_ = 	snop  }
0x6: {  	_ = 	snop  }
0x7: {  	_ = 	snop  }
__scs_overlays_trampoline_lowered:
0x8: {  	[smem:$0x3FA8] =	sst s0  }
0x9: {  	[smem:$0x3FA9] =	sst s1  }
0xa: {  	[smem:$0x3FAA] =	sst s2  }
0xb: {  	[smem:$0x3FAB] =	sst s3  }
0xc: {  	[smem:$0x3FAC] =	sst s4  }
0xd: {  	[smem:$0x3FAD] =	sst s5  }
0xe: {  	[smem:$0x3FAE] =	sst s6  }
0xf: {  	[smem:$0x3FAF] =	sst s7  }
0x10: {  	[smem:$0x3FB0] =	sst s8  }
0x11: {  	[smem:$0x3FB1] =	sst s9;
	s0 =	simm.s32 @!p0 $0x0  }
0x12: {  	s1 =	sld [smem:$0x3F97];
	s0 =	simm.s32 @p0 $0x1  }
0x13: {  	[smem:$0x3FB2] =	sst s0;
	s0 =	simm.s32 @!p1 $0x0  }
0x14: {  	s2 =	sld [smem:$0x3F96];
	s0 =	simm.s32 @p1 $0x1  }
0x15: {  	[smem:$0x3FB3] =	sst s0;
	s0 =	simm.s32 @!p2 $0x0  }
0x16: {  	s3 =	sld [smem:$0x3FDB];
	s0 =	simm.s32 @p2 $0x1  }
0x17: {  	s4 =	simm.s32 $0x1BF5;
	[smem:$0x3FB5] =	sst s0  }
0x18: {  	s0 =	sld [smem:$0x3F98];
	_ =	swait.ge [sflag:s4], $0x0  }
0x19: {  	s7 =	sld [smem:$0x3F99]  }
0x1a: {  	s8 =	sadd.s32 $0xFFFFE003, lr  }
0x1b: {  	s9 =	sadd.s32 $0xFFFFFEF7, lr;
	s5 =	simm.s32 $0xFFFFFFFF;
	p2 =	slt.u32 s8, $0xFFFFF086  }
0x1c: {  	p1 =	slt.u32 s9, $0xF7A;
	s5 =	simm.s32 @!p2 $0x0  }
0x1d: {  	s5 =	simm.s32 @p1 $0x1;
	p0 =	seq.s32 s7, s2  }
0x1e: {  	s7 =	smul.u32 @!p0 $0xF7A, s2;
	p2 =	seq.s32 @!p0 s5, $0x0  }
0x1f: {  	s9 =	smul.u32 $0xF7A, s1;
	s8 =	simm.s32 @!p0 $0x1BF5;
	p2 =	por !p2, p0  }
0x20: {  	[sflag:s8] =	ssyncset.s32 @!p0 $0xFFFFF086;
	s6 =	sadd.s32 @!p0 s3, s7;
	s7 =	simm.s32 @!p0 $0x108  }
0x21: {  	s3 =	sadd.s32 s3, s9;
	s6 =	sadd.s32 @!p0 $0x88, s6;
	s7 =	simm.s32 @p2 $0x1082  }
0x22: {  	[simem:s7], [sflag:s8] =	dma.local @!p0 [hbm:s6], $0xF7A  }
0x23: {  	s9 =	sor.u32 $0xD0000000, s2;
	s6 =	simm.s32 $0x108;
	_ =	swait.ge @!p0 [sflag:s8], $0x0  }
0x24: {  	s3 =	sadd.s32 $0x88, s3;
	s6 =	simm.s32 @!p1 $0x1082;
	[sflag:s4] =	ssyncset.s32 $0xFFFFF086  }
0x25: {  	[simem:s6], [sflag:s4] =	dma.local [hbm:s3], $0xF7A  }
0x26: {  	[smem:$0x3F99] =	sst s1;
	(tag) =	ssettag s2;
	_ =	strace s9  }
0x27: {  	s1 =	sld [smem:$0x3FA9]  }
0x28: {  	s2 =	sld [smem:$0x3FAA]  }
0x29: {  	s4 =	sld [smem:$0x3FAC]  }
0x2a: {  	p0 =	seq.s32 s5, $0x0;
	s5 =	sld [smem:$0x3FAD]  }
0x2b: {  	s6 =	sld [smem:$0x3FAE]  }
0x2c: {  	s7 =	sld [smem:$0x3FAF]  }
0x2d: {  	s3 =	simm.s32 $0x108;
	s8 =	sld [smem:$0x3FB0]  }
0x2e: {  	s3 =	simm.s32 @!p0 $0x1082;
	s9 =	sld [smem:$0x3FB1]  }
0x2f: {  	lr =	sadd.s32 s0, s3;
	s0 =	sld [smem:$0x3FA8]  }
0x30: {  	s3 =	sld [smem:$0x3FAB]  }
0x31: {  	[smem:$0x3FB4] =	sst s10  }
0x32: {  	s10 =	sld [smem:$0x3FB2];
	_ =	sdelay $0x3  }
0x33: {  	p0 =	seq.s32 s10, $0x1;
	s10 =	sld [smem:$0x3FB4];
	_ =	sdelay $0x3  }
0x34: {  	[smem:$0x3FB4] =	sst s10  }
0x35: {  	s10 =	sld [smem:$0x3FB3];
	_ =	sdelay $0x3  }
0x36: {  	p1 =	seq.s32 s10, $0x1;
	s10 =	sld [smem:$0x3FB4];
	_ =	sdelay $0x3  }
0x37: {  	[smem:$0x3FB4] =	sst s10  }
0x38: {  	s10 =	sld [smem:$0x3FB5]  }
0x39: {  	_ = 	snop;
	(pc) =	sbr.ind lr, $3  }
0x3a: {  	_ = 	snop  }
0x3b: {  	_ = 	snop  }
0x3c: {  	p2 =	seq.s32 s10, $0x1;
	s10 =	sld [smem:$0x3FB4]  }
0x3d: {  	_ =	shalt  }
0x3e: {  	_ =	shalt  }
0x3f: {  	_ =	shalt  }
0x40: {  	_ =	shalt  }
0x41: {  	_ =	shalt  }
0x42: {  	_ =	shalt  }
0x43: {  	_ =	shalt  }
0x44: {  	_ =	shalt  }
0x45: {  	_ =	shalt  }
0x46: {  	_ =	shalt  }
0x47: {  	_ =	shalt  }
0x48: {  	_ =	shalt  }
0x49: {  	_ =	shalt  }
0x4a: {  	_ =	shalt  }
0x4b: {  	_ =	shalt  }
0x4c: {  	_ =	shalt  }
0x4d: {  	_ =	shalt  }
0x4e: {  	_ =	shalt  }
0x4f: {  	_ =	shalt  }
0x50: {  	_ =	shalt  }
0x51: {  	_ =	shalt  }
0x52: {  	_ =	shalt  }
0x53: {  	_ =	shalt  }
0x54: {  	_ =	shalt  }
0x55: {  	_ =	shalt  }
0x56: {  	_ =	shalt  }
0x57: {  	_ =	shalt  }
0x58: {  	_ =	shalt  }
0x59: {  	_ =	shalt  }
0x5a: {  	_ =	shalt  }
0x5b: {  	_ =	shalt  }
0x5c: {  	_ =	shalt  }
0x5d: {  	_ =	shalt  }
0x5e: {  	_ =	shalt  }
0x5f: {  	_ =	shalt  }
0x60: {  	_ =	shalt  }
0x61: {  	_ =	shalt  }
0x62: {  	_ =	shalt  }
0x63: {  	_ =	shalt  }
0x64: {  	_ =	shalt  }
0x65: {  	_ =	shalt  }
0x66: {  	_ =	shalt  }
0x67: {  	_ =	shalt  }
0x68: {  	_ =	shalt  }
0x69: {  	_ =	shalt  }
0x6a: {  	_ =	shalt  }
0x6b: {  	_ =	shalt  }
0x6c: {  	_ =	shalt  }
0x6d: {  	_ =	shalt  }
0x6e: {  	_ =	shalt  }
0x6f: {  	_ =	shalt  }
0x70: {  	_ =	shalt  }
0x71: {  	_ =	shalt  }
0x72: {  	_ =	shalt  }
0x73: {  	_ =	shalt  }
0x74: {  	_ =	shalt  }
0x75: {  	_ =	shalt  }
0x76: {  	_ =	shalt  }
0x77: {  	_ =	shalt  }
0x78: {  	_ =	shalt  }
0x79: {  	_ =	shalt  }
0x7a: {  	_ =	shalt  }
0x7b: {  	_ =	shalt  }
0x7c: {  	_ =	shalt  }
0x7d: {  	_ =	shalt  }
0x7e: {  	_ =	shalt  }
0x7f: {  	_ =	shalt  }
0x80: {  	_ =	shalt  }
0x81: {  	_ =	shalt  }
0x82: {  	_ =	shalt  }
0x83: {  	_ =	shalt  }
0x84: {  	_ =	shalt  }
0x85: {  	_ =	shalt  }
0x86: {  	_ =	shalt  }
0x87: {  	_ =	shalt  }
.Lfunc_end0:
.L_simem_size_0:
called_computation_lowered:
.L_overlay_start_0:
0x88: {  	s2 =	sld [smem:$0x3FD9]  }
0x89: {  	s3 =	sld [smem:$0x3FFE];
	_ =	sdelay $0x1  }
0x8a: {  	s1 =	srdreg.scid  }
0x8b: {  	s0 =	sand.u32 $0x1, s1  }
0x8c: {  	s17 =	sshll.u32 s0, $0xA;
	s2 =	sadd.s32 s3, s2  }
0x8d: {  	s2 =	sadd.s32 s2, s17  }
0x8e: {  	[smem:$0x3FC0] =	sst s2  }
0x8f: {  	_ = 	snop  }
0x90: {  	s2 =	sld [smem:$0x3FC7]  }
0x91: {  	s18 =	sld [smem:$0x3FC6];
	(tm) =	ssettm $0x1  }
0x92: {  	s4 =	sld [smem:$0x3FFB];
	_ =	sdelay $0x3  }
0x93: {  	_ =	strace s4  }
0x94: {  	s4 =	sld [smem:$0x3FFC];
	_ =	sdelay $0x3  }
0x95: {  	_ =	strace s4  }
0x96: {  	s4 =	sld [smem:$0x3FFD];
	_ =	sdelay $0x3  }
0x97: {  	_ =	strace s4  }
0x98: {  	_ =	strace $0x8FFFFFFF  }
0x99: {  	s19 =	sld [smem:$0x3FDB];
	_ =	sdelay $0x1  }
0x9a: {  	s5 =	simm.s32 $_scs_section_size  }
0x9b: {  	s6 =	simm.s32 $_size__tile_overlayer_lowered;
	s7 =	simm.s32 $_tile_overlayer_lowered  }
0x9c: {  	s22 =	simm.s32 $0x1BFF;
	s21 =	sshll.u32 s7, $0x1;
	s4 =	sadd.s32 s5, s19  }
0x9d: {  	s8 =	simm.s32 $0x0;
	s20 =	sshll.u32 s6, $0x1;
	s6 =	sadd.s32 s21, s4  }
0x9e: {  	[timem:s8], [sflag:s22] =	dma.local [hbm:s6], s20  }
0x9f: {  	_ =	swait.ge [sflag:s22], s20  }
0xa0: {  	s5 =	ssub.s32 $0x0, s20;
	[sflag:s22] =	ssyncset.done $0x0  }
0xa1: {  	[sflag:s22] =	ssyncadd.s32 s5;
	_ =	sdelay $0x1  }
0xa2: {  	s23 =	simm.s32 $0x1B8B  }
0xa3: {  	_ =	swait.ge [sflag:s23], $0x1  }
0xa4: {  	[sflag:s23] =	ssyncset.done $0x0  }
0xa5: {  	s25 =	simm.s32 $0x1B8E;
	s24 =	sld [smem:$0x3FFE];
	[sflag:s23] =	ssyncadd.s32 $0xFFFFFFFF  }
0xa6: {  	s26 =	simm.s32 $execute0_lowered;
	[smem:$0x3FD2] =	sst s25  }
0xa7: {  	s6 =	sshll.u32 s26, $0x1;
	_ =	strace $0x80000046;
	[dreg:$0x1] =	wrdreg $0xFFFFFFFF  }
0xa8: {  	s28 =	simm.s32 $_size_execute0_lowered;
	s4 =	sadd.s32 s4, s6;
	[dreg:$0x0] =	wrdreg $0x0  }
0xa9: {  	s6 =	sshll.u32 s28, $0x1;
	[dreg:$0x2] =	wrdreg s4  }
0xaa: {  	[dreg:$0x3] =	wrdreg s6  }
0xab: {  	[dreg:$0x4] =	wrdreg $0xC0  }
0xac: {  	_ =	task [dreg:s8], $0x5FFFF  }
0xad: {  	[dreg:$0x1] =	wrdreg $0xFFFFFFFF  }
0xae: {  	[dreg:$0x0] =	wrdreg $0x60  }
0xaf: {  	[dreg:$0x2] =	wrdreg s2  }
0xb0: {  	[dreg:$0x3] =	wrdreg s18  }
0xb1: {  	[dreg:$0x4] =	wrdreg s24  }
0xb2: {  	[dreg:$0x5] =	wrdreg $0x9  }
0xb3: {  	_ =	task.clear_ibuf [dreg:s8], $0x6FFFF;
	_ =	strace $0x90000046  }
0xb4: {  	s29 =	simm.s32 $0x9;
	_ =	strace $0x80000048  }
0xb5: {  	_ =	swait.ge [sflag:s29], $0x1  }
0xb6: {  	[sflag:s29] =	ssyncadd.s32 $0xFFFFFFFF  }
0xb7: {  	_ =	strace $0x90000048  }
0xb8: {  	_ =	sfence  }
0xb9: {  	s30 =	sld [smem:$0x0];
	_ =	sdelay $0x2  }
0xba: {  	s31 =	sshll.u32 s1, $0xD;
	s1 =	sshrl.u32 s1, $0x2  }
0xbb: {  	s3 =	sand.u32 $0x4000, s31;
	s1 =	sadd.s32 s1, s30  }
0xbc: {  	s0 =	sor.u32 s3, s0;
	s1 =	sshll.u32 s1, $0x11  }
0xbd: {  	s0 =	sor.u32 s1, s0  }
0xbe: {  	s0 =	sadd.s32 $0x8F2B, s0  }
0xbf: {  	[sflag:s0] =	ssyncadd.remote.s32 $0x1  }
0xc0: {  	_ =	sfence.sel $0xFFFF  }
0xc1: {  	[dreg:$0x0] =	wrdreg $0xFFFFFFFF;
	(pc) =	sbr.abs _section_cstart, $3  }
0xc2: {  	[dreg:$0x1] =	wrdreg $0xFFFFFFFF  }
0xc3: {  	_ =	task.clear_ibuf [dreg:s8], $0x2FFFF;
	_ =	strace $0x9FFFFFFF  }
0xc4: {  	(tm) =	ssettm $0x7FFFFFFF  }
0xc5: {  	_ =	shalt  }
tec
execute0_lowered:
.L_overlay_start_1:
0x0: {  	(tag) =	ssettag $0x1  }
0x1: {  	s1 =	rddreg [dreg:$0x0]  }
0x2: {  	s2 =	rddreg [dreg:$0x1]  }
0x3: {  	s0 =	rddreg [dreg:$0x2];
	s3 =	srdreg.scid;
	s4 =	simm.s32 $0x0  }
0x4: {  	s6 =	stileid.u32;
	s10 =	simm.s32 $0x5;
	s11 =	simm.s32 $0x1  }
0x5: {  	s12 =	simm.s32 $0x480;
	s13 =	simm.s32 $0x2;
	s14 =	simm.s32 $0x3  }
0x6: {  	v0 =	vlaneseq.u32;
	s15 =	simm.s32 $0x4;
	s3 =	sand.u32 $0x1, s3;
	[smem:$0x7FF] =	sst s4  }
0x7: {  	s5 =	sshll.u32 s6, $0xE;
	s6 =	sshll.u32 s6, $0x8;
	v0 =	vmul.u32 $0x80, v0;
	s28 =	sshll.u32 s3, $0x4  }
0x8: {  	_ =	strace $0x80000047;
	s29 =	ssub.s32 $0x2, s3;
	s30 =	sshll.u32 s3, $0x12  }
0x9: {  	p0 =	seq.s32 s3, $0x1;
	p1 =	sne.s32 s3, $0x0;
	s4 =	sadd.s32 s28, s0;
	v1 =	vor.u32 $0x800, v0;
	v2 =	vor.u32 $0x1000, v0;
	v3 =	vor.u32 $0x1800, v0  }
0xa: {  	p2 =	seq.s32 s3, $0x0;
	s7 =	sshrl.u32 s29, $0x1;
	v4 =	vor.u32 $0x2000, v0;
	v5 =	vor.u32 $0x2800, v0;
	v6 =	vor.u32 $0x3000, v0;
	s4 =	sadd.s32 s6, s4  }
0xb: {  	s0 =	sadd.s32 s5, s0;
	v7 =	vor.u32 $0x3800, v0;
	v8 =	vor.u32 $0x4000, v0;
	v9 =	vor.u32 $0x4800, v0;
	s5 =	ssub.s32 s29, s7;
	s4 =	sadd.s32 $0xA00, s4  }
0xc: {  	v10 =	vor.u32 $0x5000, v0;
	v11 =	vor.u32 $0x5800, v0;
	v12 =	vor.u32 $0x6000, v0;
	s0 =	sadd.s32 s30, s0;
	s31 =	smax.u32 s5, $0x1;
	[dreg:$0x4] =	wrdreg s4  }
0xd: {  	s3 =	simm.s32 $0x0;
	v13 =	vor.u32 $0x6800, v0;
	v14 =	vor.u32 $0x7000, v0;
	v15 =	vor.u32 $0x7800, v0;
	s6 =	sadd.s32 $0x1A00, s0;
	[dreg:$0x5] =	wrdreg s31  }
.LBB2_1:
0xe: {  	[dreg:$0x6] =	wrdreg s3;
	s0 =	simm.s32 $0x0  }
0xf: {  	s31 =	rddreg [dreg:$0x4];
	s4 =	simm.s32 $0x80;
	s5 =	simm.s32 $0x100  }
0x10: {  	[tilespmem:s0], [sflag:$0x5] =	stream.strided.gather [hbm4b:s31+s4], $0x400, s5, s4, $0x38;
	[tilespmem:$0xC480] =	vst v63  }
0x11: {  	_ =	swait.ge [sflag:s10], $0x400  }
0x12: {  	[sflag:s10] =	ssyncset.done $0x0  }
0x13: {  	[sflag:s10] =	ssyncadd.s32 $0xFFFFFC00  }
0x14: {  	v16 =	vld [tilespmem:$0x0];
	_ =	sdelay $0x4  }
0x15: {  	(v2sf) =	vpush v16, $0x0;
	_ =	sdelay $0x3  }
0x16: {  	(v2sf) =	vpush v16, $0x1;
	_ =	sdelay $0x5  }
0x17: {  	(v2sf) =	vpush v16, $0x2;
	_ =	sdelay $0x4  }
0x18: {  	s7 =	simm.s32 @!p1 $0x480;
	s8 =	simm.s32 @p0 $0x7A1400;
	s0 =	spop (v2sf)  }
0x19: {  	s9 =	simm.s32 @p0 $0x480;
	s4 =	simm.s32 @!p1 $0x400;
	s3 =	sand.u32 @!p1 $0xFFFFF80, s0  }
0x1a: {  	s5 =	simm.s32 @!p1 $0x7A1400;
	s0 =	sand.u32 @p0 $0xFFFFF80, s0;
	s3 =	sadd.s32 @!p1 s1, s3  }
0x1b: {  	(v2sf) =	vpush v16, $0x3;
	[tilespmem:s7], [sflag:$0x1] =	stream.strided.gather @!p1 [hbm4b:s3+s4], $0x2000, s5, s4, $0x38;
	[tilespmem:$0xC480] =	vst v63  }
0x1c: {  	s0 =	sadd.s32 @p0 s2, s0;
	s3 =	spop (v2sf);
	s7 =	simm.s32 @p0 $0x400  }
0x1d: {  	[tilespmem:s9], [sflag:$0x1] =	stream.strided.gather @p0 [hbm4b:s0+s7], $0x2000, s8, s7, $0x38;
	[tilespmem:$0xC480] =	vst v63  }
0x1e: {  	s0 =	sand.u32 @!p1 $0xFFFFF80, s3  }
0x1f: {  	s9 =	simm.s32 @!p1 $0x2480;
	s0 =	sadd.s32 @!p1 s1, s0  }
0x20: {  	[tilespmem:s9], [sflag:$0x2] =	stream.strided.gather @!p1 [hbm4b:s0+s4], $0x2000, s5, s4, $0x38;
	[tilespmem:$0xC480] =	vst v63  }
0x21: {  	s0 =	sand.u32 @p0 $0xFFFFF80, s3  }
0x22: {  	s3 =	spop (v2sf);
	s9 =	simm.s32 @p0 $0x2480;
	s0 =	sadd.s32 @p0 s2, s0  }
0x23: {  	[tilespmem:s9], [sflag:$0x2] =	stream.strided.gather @p0 [hbm4b:s0+s7], $0x2000, s8, s7, $0x38;
	[tilespmem:$0xC480] =	vst v63  }
0x24: {  	s0 =	sand.u32 @!p1 $0xFFFFF80, s3  }
0x25: {  	s9 =	simm.s32 @!p1 $0x4480;
	s0 =	sadd.s32 @!p1 s1, s0  }
0x26: {  	[tilespmem:s9], [sflag:$0x3] =	stream.strided.gather @!p1 [hbm4b:s0+s4], $0x2000, s5, s4, $0x38;
	[tilespmem:$0xC480] =	vst v63  }
0x27: {  	s0 =	sand.u32 @p0 $0xFFFFF80, s3  }
0x28: {  	s3 =	simm.s32 @p0 $0x4480;
	s0 =	sadd.s32 @p0 s2, s0  }
0x29: {  	[tilespmem:s3], [sflag:$0x3] =	stream.strided.gather @p0 [hbm4b:s0+s7], $0x2000, s8, s7, $0x38;
	[tilespmem:$0xC480] =	vst v63  }
0x2a: {  	s0 =	spop (v2sf)  }
0x2b: {  	s18 =	simm.s32 $0x0;
	s19 =	simm.s32 $0x0;
	s3 =	sand.u32 @!p1 $0xFFFFF80, s0  }
0x2c: {  	s9 =	simm.s32 @!p1 $0x6480;
	s0 =	sand.u32 @p0 $0xFFFFF80, s0;
	s3 =	sadd.s32 @!p1 s1, s3  }
0x2d: {  	[tilespmem:s9], [sflag:$0x4] =	stream.strided.gather @!p1 [hbm4b:s3+s4], $0x2000, s5, s4, $0x38;
	[tilespmem:$0xC480] =	vst v63  }
0x2e: {  	s20 =	simm.s32 $0x0;
	s0 =	sadd.s32 @p0 s2, s0;
	s3 =	simm.s32 @p0 $0x6480  }
0x2f: {  	[tilespmem:s3], [sflag:$0x4] =	stream.strided.gather @p0 [hbm4b:s0+s7], $0x2000, s8, s7, $0x38;
	[tilespmem:$0xC480] =	vst v63  }
.LBB2_2:
0x30: {  	v16 =	vmov s19;
	_ =	sdelay $0x3  }
0x31: {  	s0 =	simm.s32 $0x0  }
0x32: {  	v17 =	vld.idx.msk [tilespmem:v16+s0+$0x0 ss:$0x1], $0xffff;
	_ =	sdelay $0x4  }
0x33: {  	(v2sf) =	vpush v17, $0x0  }
0x34: {  	(v2sf) =	vpush v17, $0x4  }
0x35: {  	(v2sf) =	vpush v17, $0x1  }
0x36: {  	(v2sf) =	vpush v17, $0x5;
	_ =	sdelay $0xb  }
0x37: {  	(v2sf) =	vpush v17, $0x2;
	s29 =	spop (v2sf)  }
0x38: {  	(v2sf) =	vpush v17, $0x6;
	s3 =	sand.u32 $0x7F, s29;
	s4 =	spop (v2sf)  }
0x39: {  	(v2sf) =	vpush v17, $0x3;
	v18 =	vor.u32 s3, v0;
	s5 =	spop (v2sf)  }
0x3a: {  	(v2sf) =	vpush v17, $0x7;
	s7 =	spop (v2sf)  }
0x3b: {  	_ =	swait.ge [sflag:s11], $0x2000  }
0x3c: {  	[sflag:s11] =	ssyncset.done $0x0  }
0x3d: {  	[sflag:s11] =	ssyncadd.s32 $0xFFFFE000  }
0x3e: {  	v17 =	vld.idx.msk [tilespmem:v18+s12+$0x0], $0xffff  }
0x3f: {  	v18 =	vor.u32 s3, v1;
	_ =	sdelay $0x2  }
0x40: {  	s30 =	simm.s32 $0x8580  }
0x41: {  	[tilespmem:s30+$0xFFFFFF00] =	vst v17  }
0x42: {  	v17 =	vld.idx.msk [tilespmem:v18+s12+$0x0], $0xffff  }
0x43: {  	v18 =	vor.u32 s3, v2;
	_ =	sdelay $0x3  }
0x44: {  	[tilespmem:s30+$0xFFFFFF10] =	vst v17  }
0x45: {  	v17 =	vld.idx.msk [tilespmem:v18+s12+$0x0], $0xffff  }
0x46: {  	v18 =	vor.u32 s3, v3;
	_ =	sdelay $0x3  }
0x47: {  	p3 =	slt.u32 s18, $0x3FC;
	[tilespmem:s30+$0xFFFFFF20] =	vst v17  }
0x48: {  	p4 =	por !p2, !p3;
	p3 =	por !p3, !p0;
	v17 =	vld.idx.msk [tilespmem:v18+s12+$0x0], $0xffff  }
0x49: {  	p4 =	por !p4, !p4;
	p3 =	por !p3, !p3  }
0x4a: {  	s22 =	simm.s32 @p4 $0x480;
	s25 =	simm.s32 @p3 $0x400  }
0x4b: {  	s26 =	simm.s32 @p3 $0x7A1400;
	s9 =	sand.u32 $0x7F, s5;
	s8 =	spop (v2sf)  }
0x4c: {  	s5 =	simm.s32 @p4 $0x7A1400;
	s17 =	spop (v2sf);
	s3 =	sand.u32 @p4 $0xFFFFF80, s4  }
0x4d: {  	s4 =	sand.u32 @p3 $0xFFFFF80, s4;
	s23 =	sadd.s32 @p4 s1, s3;
	s3 =	simm.s32 @p4 $0x400;
	[tilespmem:s30+$0xFFFFFF30] =	vst v17  }
0x4e: {  	[tilespmem:s22], [sflag:$0x1] =	stream.strided.gather @p4 [hbm4b:s23+s3], $0x2000, s5, s3, $0x38;
	[tilespmem:$0xC480] =	vst v63  }
0x4f: {  	s21 =	spop (v2sf);
	s4 =	sadd.s32 @p3 s2, s4;
	s22 =	simm.s32 @p3 $0x480  }
0x50: {  	v17 =	vor.u32 s9, v4;
	[tilespmem:s22], [sflag:$0x1] =	stream.strided.gather @p3 [hbm4b:s4+s25], $0x2000, s26, s25, $0x38;
	[tilespmem:$0xC480] =	vst v63  }
0x51: {  	s4 =	spop (v2sf)  }
0x52: {  	_ =	swait.ge [sflag:s13], $0x2000  }
0x53: {  	[sflag:s13] =	ssyncset.done $0x0  }
0x54: {  	[sflag:s13] =	ssyncadd.s32 $0xFFFFE000  }
0x55: {  	v17 =	vld.idx.msk [tilespmem:v17+s12+$0x0], $0xffff  }
0x56: {  	v18 =	vor.u32 s9, v5;
	_ =	sdelay $0x3  }
0x57: {  	[tilespmem:s30+$0xFFFFFF80] =	vst v17  }
0x58: {  	v17 =	vld.idx.msk [tilespmem:v18+s12+$0x0], $0xffff  }
0x59: {  	v18 =	vor.u32 s9, v6;
	_ =	sdelay $0x3  }
0x5a: {  	[tilespmem:s30+$0xFFFFFF90] =	vst v17  }
0x5b: {  	v17 =	vld.idx.msk [tilespmem:v18+s12+$0x0], $0xffff  }
0x5c: {  	v18 =	vor.u32 s9, v7;
	_ =	sdelay $0x3  }
0x5d: {  	[tilespmem:s30+$0xFFFFFFA0] =	vst v17  }
0x5e: {  	v17 =	vld.idx.msk [tilespmem:v18+s12+$0x0], $0xffff;
	_ =	sdelay $0x3  }
0x5f: {  	s8 =	sand.u32 $0x7F, s8;
	s9 =	sand.u32 @p4 $0xFFFFF80, s7  }
0x60: {  	s22 =	simm.s32 @p4 $0x2480;
	s7 =	sand.u32 @p3 $0xFFFFF80, s7;
	s9 =	sadd.s32 @p4 s1, s9;
	[tilespmem:s30+$0xFFFFFFB0] =	vst v17  }
0x61: {  	[tilespmem:s22], [sflag:$0x2] =	stream.strided.gather @p4 [hbm4b:s9+s3], $0x2000, s5, s3, $0x38;
	[tilespmem:$0xC480] =	vst v63  }
0x62: {  	s7 =	sadd.s32 @p3 s2, s7;
	v17 =	vor.u32 s8, v8;
	s9 =	simm.s32 @p3 $0x2480  }
0x63: {  	[tilespmem:s9], [sflag:$0x2] =	stream.strided.gather @p3 [hbm4b:s7+s25], $0x2000, s26, s25, $0x38;
	[tilespmem:$0xC480] =	vst v63  }
0x64: {  	_ =	swait.ge [sflag:s14], $0x2000  }
0x65: {  	[sflag:s14] =	ssyncset.done $0x0  }
0x66: {  	[sflag:s14] =	ssyncadd.s32 $0xFFFFE000  }
0x67: {  	v17 =	vld.idx.msk [tilespmem:v17+s12+$0x0], $0xffff  }
0x68: {  	v18 =	vor.u32 s8, v9;
	_ =	sdelay $0x3  }
0x69: {  	[tilespmem:s30+$0x0] =	vst v17  }
0x6a: {  	v17 =	vld.idx.msk [tilespmem:v18+s12+$0x0], $0xffff  }
0x6b: {  	v18 =	vor.u32 s8, v10;
	_ =	sdelay $0x3  }
0x6c: {  	[tilespmem:s30+$0x10] =	vst v17  }
0x6d: {  	v17 =	vld.idx.msk [tilespmem:v18+s12+$0x0], $0xffff  }
0x6e: {  	v18 =	vor.u32 s8, v11;
	_ =	sdelay $0x3  }
0x6f: {  	[tilespmem:s30+$0x20] =	vst v17  }
0x70: {  	v17 =	vld.idx.msk [tilespmem:v18+s12+$0x0], $0xffff;
	_ =	sdelay $0x3  }
0x71: {  	s7 =	sand.u32 @p4 $0xFFFFF80, s17  }
0x72: {  	s7 =	sadd.s32 @p4 s1, s7;
	s8 =	simm.s32 @p4 $0x4480;
	[tilespmem:s30+$0x30] =	vst v17  }
0x73: {  	[tilespmem:s8], [sflag:$0x3] =	stream.strided.gather @p4 [hbm4b:s7+s3], $0x2000, s5, s3, $0x38;
	[tilespmem:$0xC480] =	vst v63  }
0x74: {  	s31 =	sand.u32 $0x7F, s21;
	s7 =	sand.u32 @p3 $0xFFFFF80, s17  }
0x75: {  	s9 =	simm.s32 @p3 $0x4480;
	v17 =	vor.u32 s31, v12;
	s7 =	sadd.s32 @p3 s2, s7  }
0x76: {  	[tilespmem:s9], [sflag:$0x3] =	stream.strided.gather @p3 [hbm4b:s7+s25], $0x2000, s26, s25, $0x38;
	[tilespmem:$0xC480] =	vst v63  }
0x77: {  	_ =	swait.ge [sflag:s15], $0x2000  }
0x78: {  	[sflag:s15] =	ssyncset.done $0x0  }
0x79: {  	[sflag:s15] =	ssyncadd.s32 $0xFFFFE000  }
0x7a: {  	v17 =	vld.idx.msk [tilespmem:v17+s12+$0x0], $0xffff  }
0x7b: {  	v18 =	vor.u32 s31, v13;
	_ =	sdelay $0x3  }
0x7c: {  	[tilespmem:s30+$0x80] =	vst v17  }
0x7d: {  	v17 =	vld.idx.msk [tilespmem:v18+s12+$0x0], $0xffff  }
0x7e: {  	v18 =	vor.u32 s31, v14;
	_ =	sdelay $0x3  }
0x7f: {  	[tilespmem:s30+$0x90] =	vst v17  }
0x80: {  	v17 =	vld.idx.msk [tilespmem:v18+s12+$0x0], $0xffff  }
0x81: {  	v18 =	vor.u32 s31, v15;
	_ =	sdelay $0x3  }
0x82: {  	[tilespmem:s30+$0xA0] =	vst v17  }
0x83: {  	v17 =	vld.idx.msk [tilespmem:v18+s12+$0x0], $0xffff;
	_ =	sdelay $0x2  }
0x84: {  	s24 =	simm.s32 $0x20  }
0x85: {  	s21 =	simm.s32 $0x8780;
	s23 =	simm.s32 $0x4;
	s7 =	sand.u32 @p4 $0xFFFFF80, s4  }
0x86: {  	s4 =	sand.u32 @p3 $0xFFFFF80, s4;
	s0 =	sadd.s32 @p4 s1, s7;
	s7 =	simm.s32 @p4 $0x6480;
	[tilespmem:s30+$0xB0] =	vst v17  }
0x87: {  	[tilespmem:s7], [sflag:$0x4] =	stream.strided.gather @p4 [hbm4b:s0+s3], $0x2000, s5, s3, $0x38;
	[tilespmem:$0xC480] =	vst v63  }
0x88: {  	s22 =	sadd.s32 $0x4, s18;
	s28 =	sadd.s32 @p3 s2, s4;
	s0 =	simm.s32 @p3 $0x6480  }
.LBB2_3:
0x89: {  	[tilespmem:s0], [sflag:$0x4] =	stream.strided.gather @p3 [hbm4b:s28+s25], $0x2000, s26, s25, $0x38;
	[tilespmem:$0xC480] =	vst v63  }
0x8a: {  	v17 =	vld.idx.msk [tilespmem:v16+s23+$0x0 ss:$0x1], $0xffff;
	s23 =	sshra.s32 s24, $0x2;
	s24 =	sadd.s32 $0x10, s24  }
0x8b: {  	p4 =	sne.s32 s24, $0x200;
	_ =	sdelay $0x4  }
0x8c: {  	(v2sf) =	vpush v17, $0x0  }
0x8d: {  	(v2sf) =	vpush v17, $0x4  }
0x8e: {  	(v2sf) =	vpush v17, $0x1  }
0x8f: {  	(v2sf) =	vpush v17, $0x5  }
0x90: {  	(v2sf) =	vpush v17, $0x2;
	_ =	sdelay $0x1  }
0x91: {  	(v2sf) =	vpush v17, $0x6  }
0x92: {  	(v2sf) =	vpush v17, $0x3  }
0x93: {  	(v2sf) =	vpush v17, $0x7;
	_ =	sdelay $0x5  }
0x94: {  	p3 =	slt.u32 s22, $0x3FC  }
0x95: {  	p5 =	por !p2, !p3;
	p3 =	por !p3, !p0;
	s0 =	spop (v2sf)  }
0x96: {  	p5 =	por !p5, !p5;
	s25 =	sand.u32 $0x7F, s0;
	s3 =	spop (v2sf)  }
0x97: {  	p3 =	por !p3, !p3;
	v17 =	vor.u32 s25, v0;
	s0 =	sand.u32 @p5 $0xFFFFF80, s3;
	s4 =	spop (v2sf)  }
0x98: {  	s3 =	sand.u32 @p3 $0xFFFFF80, s3;
	s17 =	sand.u32 $0x7F, s4;
	s7 =	spop (v2sf)  }
0x99: {  	_ =	swait.ge [sflag:s11], $0x2000  }
0x9a: {  	s5 =	sand.u32 @p5 $0xFFFFF80, s7;
	s8 =	spop (v2sf)  }
0x9b: {  	s4 =	sadd.s32 @p3 s2, s3;
	[sflag:s11] =	ssyncset.done $0x0;
	s9 =	sand.u32 $0x7F, s8  }
0x9c: {  	s3 =	sand.u32 @p3 $0xFFFFF80, s7;
	[sflag:s11] =	ssyncadd.s32 $0xFFFFE000;
	s8 =	spop (v2sf)  }
0x9d: {  	s7 =	sadd.s32 @p3 s2, s3;
	v17 =	vld.idx.msk [tilespmem:v17+s12+$0x0], $0xffff;
	s3 =	sand.u32 @p5 $0xFFFFF80, s8;
	s26 =	spop (v2sf)  }
0x9e: {  	s8 =	sand.u32 @p3 $0xFFFFF80, s8;
	s30 =	sand.u32 $0x7F, s26;
	s26 =	spop (v2sf)  }
0x9f: {  	v18 =	vor.u32 s25, v1;
	s8 =	sadd.s32 @p3 s2, s8;
	s29 =	sand.u32 @p5 $0xFFFFF80, s26;
	s26 =	sand.u32 @p3 $0xFFFFF80, s26  }
0xa0: {  	s28 =	sadd.s32 @p3 s2, s26;
	_ =	sdelay $0x2  }
0xa1: {  	[tilespmem:s21+$0xFFFFFF00] =	vst v17  }
0xa2: {  	v17 =	vld.idx.msk [tilespmem:v18+s12+$0x0], $0xffff;
	_ =	sdelay $0x1  }
0xa3: {  	v18 =	vor.u32 s25, v2;
	_ =	sdelay $0x3  }
0xa4: {  	[tilespmem:s21+$0xFFFFFF10] =	vst v17  }
0xa5: {  	v17 =	vld.idx.msk [tilespmem:v18+s12+$0x0], $0xffff;
	_ =	sdelay $0x1  }
0xa6: {  	v18 =	vor.u32 s25, v3;
	_ =	sdelay $0x3  }
0xa7: {  	[tilespmem:s21+$0xFFFFFF20] =	vst v17  }
0xa8: {  	v17 =	vld.idx.msk [tilespmem:v18+s12+$0x0], $0xffff;
	_ =	sdelay $0x4  }
0xa9: {  	s25 =	simm.s32 @p5 $0x480  }
0xaa: {  	s31 =	simm.s32 @p5 $0x400;
	s26 =	sadd.s32 @p5 s1, s0;
	s0 =	simm.s32 @p5 $0x7A1400;
	[tilespmem:s21+$0xFFFFFF30] =	vst v17  }
0xab: {  	[tilespmem:s25], [sflag:$0x1] =	stream.strided.gather @p5 [hbm4b:s26+s31], $0x2000, s0, s31, $0x38;
	[tilespmem:$0xC480] =	vst v63  }
0xac: {  	s16 =	simm.s32 @p3 $0x480;
	v17 =	vor.u32 s17, v4;
	s25 =	simm.s32 @p3 $0x400;
	s26 =	simm.s32 @p3 $0x7A1400  }
0xad: {  	[tilespmem:s16], [sflag:$0x1] =	stream.strided.gather @p3 [hbm4b:s4+s25], $0x2000, s26, s25, $0x38;
	[tilespmem:$0xC480] =	vst v63  }
0xae: {  	_ =	swait.ge [sflag:s13], $0x2000  }
0xaf: {  	[sflag:s13] =	ssyncset.done $0x0  }
0xb0: {  	[sflag:s13] =	ssyncadd.s32 $0xFFFFE000  }
0xb1: {  	v17 =	vld.idx.msk [tilespmem:v17+s12+$0x0], $0xffff;
	_ =	sdelay $0x1  }
0xb2: {  	v18 =	vor.u32 s17, v5;
	_ =	sdelay $0x3  }
0xb3: {  	[tilespmem:s21+$0xFFFFFF80] =	vst v17  }
0xb4: {  	v17 =	vld.idx.msk [tilespmem:v18+s12+$0x0], $0xffff;
	_ =	sdelay $0x1  }
0xb5: {  	v18 =	vor.u32 s17, v6;
	_ =	sdelay $0x3  }
0xb6: {  	[tilespmem:s21+$0xFFFFFF90] =	vst v17  }
0xb7: {  	v17 =	vld.idx.msk [tilespmem:v18+s12+$0x0], $0xffff;
	_ =	sdelay $0x1  }
0xb8: {  	v18 =	vor.u32 s17, v7;
	_ =	sdelay $0x3  }
0xb9: {  	[tilespmem:s21+$0xFFFFFFA0] =	vst v17  }
0xba: {  	v17 =	vld.idx.msk [tilespmem:v18+s12+$0x0], $0xffff;
	_ =	sdelay $0x5  }
0xbb: {  	s4 =	sadd.s32 @p5 s1, s5;
	s5 =	simm.s32 @p5 $0x2480;
	[tilespmem:s21+$0xFFFFFFB0] =	vst v17  }
0xbc: {  	[tilespmem:s5], [sflag:$0x2] =	stream.strided.gather @p5 [hbm4b:s4+s31], $0x2000, s0, s31, $0x38;
	[tilespmem:$0xC480] =	vst v63  }
0xbd: {  	v17 =	vor.u32 s9, v8;
	s4 =	simm.s32 @p3 $0x2480  }
0xbe: {  	[tilespmem:s4], [sflag:$0x2] =	stream.strided.gather @p3 [hbm4b:s7+s25], $0x2000, s26, s25, $0x38;
	[tilespmem:$0xC480] =	vst v63  }
0xbf: {  	_ =	swait.ge [sflag:s14], $0x2000  }
0xc0: {  	[sflag:s14] =	ssyncset.done $0x0  }
0xc1: {  	[sflag:s14] =	ssyncadd.s32 $0xFFFFE000  }
0xc2: {  	v17 =	vld.idx.msk [tilespmem:v17+s12+$0x0], $0xffff;
	_ =	sdelay $0x1  }
0xc3: {  	v18 =	vor.u32 s9, v9;
	_ =	sdelay $0x3  }
0xc4: {  	[tilespmem:s21+$0x0] =	vst v17  }
0xc5: {  	v17 =	vld.idx.msk [tilespmem:v18+s12+$0x0], $0xffff;
	_ =	sdelay $0x1  }
0xc6: {  	v18 =	vor.u32 s9, v10;
	_ =	sdelay $0x3  }
0xc7: {  	[tilespmem:s21+$0x10] =	vst v17  }
0xc8: {  	v17 =	vld.idx.msk [tilespmem:v18+s12+$0x0], $0xffff;
	_ =	sdelay $0x1  }
0xc9: {  	v18 =	vor.u32 s9, v11;
	_ =	sdelay $0x3  }
0xca: {  	[tilespmem:s21+$0x20] =	vst v17  }
0xcb: {  	v17 =	vld.idx.msk [tilespmem:v18+s12+$0x0], $0xffff;
	_ =	sdelay $0x5  }
0xcc: {  	s3 =	sadd.s32 @p5 s1, s3;
	s4 =	simm.s32 @p5 $0x4480;
	[tilespmem:s21+$0x30] =	vst v17  }
0xcd: {  	[tilespmem:s4], [sflag:$0x3] =	stream.strided.gather @p5 [hbm4b:s3+s31], $0x2000, s0, s31, $0x38;
	[tilespmem:$0xC480] =	vst v63  }
0xce: {  	v17 =	vor.u32 s30, v12;
	s3 =	simm.s32 @p3 $0x4480  }
0xcf: {  	[tilespmem:s3], [sflag:$0x3] =	stream.strided.gather @p3 [hbm4b:s8+s25], $0x2000, s26, s25, $0x38;
	[tilespmem:$0xC480] =	vst v63  }
0xd0: {  	_ =	swait.ge [sflag:s15], $0x2000  }
0xd1: {  	[sflag:s15] =	ssyncset.done $0x0  }
0xd2: {  	[sflag:s15] =	ssyncadd.s32 $0xFFFFE000  }
0xd3: {  	v17 =	vld.idx.msk [tilespmem:v17+s12+$0x0], $0xffff;
	_ =	sdelay $0x1  }
0xd4: {  	v18 =	vor.u32 s30, v13;
	_ =	sdelay $0x3  }
0xd5: {  	[tilespmem:s21+$0x80] =	vst v17  }
0xd6: {  	v17 =	vld.idx.msk [tilespmem:v18+s12+$0x0], $0xffff;
	_ =	sdelay $0x1  }
0xd7: {  	v18 =	vor.u32 s30, v14;
	_ =	sdelay $0x3  }
0xd8: {  	[tilespmem:s21+$0x90] =	vst v17  }
0xd9: {  	v17 =	vld.idx.msk [tilespmem:v18+s12+$0x0], $0xffff;
	_ =	sdelay $0x1  }
0xda: {  	v18 =	vor.u32 s30, v15;
	_ =	sdelay $0x3  }
0xdb: {  	[tilespmem:s21+$0xA0] =	vst v17  }
0xdc: {  	v17 =	vld.idx.msk [tilespmem:v18+s12+$0x0], $0xffff;
	_ =	sdelay $0x3  }
.Ltmp0:
0xdd: {  	(pc) =	sbr.rel @p4 .LBB2_3-.Ltmp0, $4  }
0xde: {  	_ = 	snop  }
0xdf: {  	s4 =	simm.s32 @p5 $0x6480;
	s3 =	sadd.s32 @p5 s1, s29;
	[tilespmem:s21+$0xB0] =	vst v17  }
0xe0: {  	[tilespmem:s4], [sflag:$0x4] =	stream.strided.gather @p5 [hbm4b:s3+s31], $0x2000, s0, s31, $0x38;
	[tilespmem:$0xC480] =	vst v63  }
0xe1: {  	s22 =	sadd.s32 $0x4, s22;
	s21 =	sadd.s32 $0x200, s21;
	s0 =	simm.s32 @p3 $0x6480  }
0xe2: {  	_ =	sdelay $0x2  }
0xe3: {  	[tilespmem:s0], [sflag:$0x4] =	stream.strided.gather @p3 [hbm4b:s28+s25], $0x2000, s26, s25, $0x38;
	[tilespmem:$0xC480] =	vst v63  }
0xe4: {  	v16 =	vld.idx.msk [tilespmem:v16+s23+$0x0 ss:$0x1], $0xffff;
	_ =	sdelay $0x4  }
0xe5: {  	(v2sf) =	vpush v16, $0x0  }
0xe6: {  	(v2sf) =	vpush v16, $0x4  }
0xe7: {  	(v2sf) =	vpush v16, $0x1  }
0xe8: {  	(v2sf) =	vpush v16, $0x5;
	_ =	sdelay $0xb  }
0xe9: {  	(v2sf) =	vpush v16, $0x2;
	s25 =	spop (v2sf)  }
0xea: {  	(v2sf) =	vpush v16, $0x6;
	s0 =	sand.u32 $0x7F, s25;
	s3 =	spop (v2sf)  }
0xeb: {  	(v2sf) =	vpush v16, $0x3;
	v17 =	vor.u32 s0, v0;
	s4 =	spop (v2sf)  }
0xec: {  	(v2sf) =	vpush v16, $0x7;
	s8 =	spop (v2sf)  }
0xed: {  	_ =	swait.ge [sflag:s11], $0x2000  }
0xee: {  	[sflag:s11] =	ssyncset.done $0x0  }
0xef: {  	[sflag:s11] =	ssyncadd.s32 $0xFFFFE000  }
0xf0: {  	v16 =	vld.idx.msk [tilespmem:v17+s12+$0x0], $0xffff  }
0xf1: {  	v17 =	vor.u32 s0, v1;
	_ =	sdelay $0x3  }
0xf2: {  	[tilespmem:s21+$0xFFFFFF00] =	vst v16  }
0xf3: {  	v16 =	vld.idx.msk [tilespmem:v17+s12+$0x0], $0xffff  }
0xf4: {  	v17 =	vor.u32 s0, v2;
	_ =	sdelay $0x3  }
0xf5: {  	[tilespmem:s21+$0xFFFFFF10] =	vst v16  }
0xf6: {  	v16 =	vld.idx.msk [tilespmem:v17+s12+$0x0], $0xffff  }
0xf7: {  	v17 =	vor.u32 s0, v3;
	_ =	sdelay $0x3  }
0xf8: {  	p6 =	slt.u32 s22, $0x3FC;
	[tilespmem:s21+$0xFFFFFF20] =	vst v16  }
0xf9: {  	p4 =	por !p2, !p6;
	v16 =	vld.idx.msk [tilespmem:v17+s12+$0x0], $0xffff  }
0xfa: {  	p3 =	por !p6, !p0;
	p4 =	por !p4, !p4  }
0xfb: {  	p3 =	por !p3, !p3;
	s5 =	simm.s32 @p4 $0x480;
	s7 =	simm.s32 @p4 $0x7A1400  }
0xfc: {  	s23 =	simm.s32 @p3 $0x480;
	s16 =	sand.u32 $0x7F, s4;
	s9 =	spop (v2sf)  }
0xfd: {  	s17 =	spop (v2sf);
	s0 =	sand.u32 @p4 $0xFFFFF80, s3;
	s3 =	sand.u32 @p3 $0xFFFFF80, s3  }
0xfe: {  	s4 =	sadd.s32 @p3 s2, s3;
	s0 =	sadd.s32 @p4 s1, s0;
	s3 =	simm.s32 @p4 $0x400;
	[tilespmem:s21+$0xFFFFFF30] =	vst v16  }
0xff: {  	[tilespmem:s5], [sflag:$0x1] =	stream.strided.gather @p4 [hbm4b:s0+s3], $0x2000, s7, s3, $0x38;
	[tilespmem:$0xC480] =	vst v63  }
0x100: {  	s26 =	spop (v2sf);
	s0 =	simm.s32 @p3 $0x400;
	s5 =	simm.s32 @p3 $0x7A1400  }
0x101: {  	v16 =	vor.u32 s16, v4;
	[tilespmem:s23], [sflag:$0x1] =	stream.strided.gather @p3 [hbm4b:s4+s0], $0x2000, s5, s0, $0x38;
	[tilespmem:$0xC480] =	vst v63  }
0x102: {  	s4 =	spop (v2sf)  }
0x103: {  	_ =	swait.ge [sflag:s13], $0x2000  }
0x104: {  	[sflag:s13] =	ssyncset.done $0x0  }
0x105: {  	[sflag:s13] =	ssyncadd.s32 $0xFFFFE000  }
0x106: {  	v16 =	vld.idx.msk [tilespmem:v16+s12+$0x0], $0xffff  }
0x107: {  	v17 =	vor.u32 s16, v5;
	_ =	sdelay $0x3  }
0x108: {  	[tilespmem:s21+$0xFFFFFF80] =	vst v16  }
0x109: {  	v16 =	vld.idx.msk [tilespmem:v17+s12+$0x0], $0xffff  }
0x10a: {  	v17 =	vor.u32 s16, v6;
	_ =	sdelay $0x3  }
0x10b: {  	[tilespmem:s21+$0xFFFFFF90] =	vst v16  }
0x10c: {  	v16 =	vld.idx.msk [tilespmem:v17+s12+$0x0], $0xffff  }
0x10d: {  	v17 =	vor.u32 s16, v7;
	_ =	sdelay $0x3  }
0x10e: {  	[tilespmem:s21+$0xFFFFFFA0] =	vst v16  }
0x10f: {  	v16 =	vld.idx.msk [tilespmem:v17+s12+$0x0], $0xffff;
	_ =	sdelay $0x3  }
0x110: {  	s9 =	sand.u32 $0x7F, s9;
	s16 =	sand.u32 @p4 $0xFFFFF80, s8  }
0x111: {  	s23 =	simm.s32 @p4 $0x2480;
	s8 =	sand.u32 @p3 $0xFFFFF80, s8;
	s16 =	sadd.s32 @p4 s1, s16;
	[tilespmem:s21+$0xFFFFFFB0] =	vst v16  }
0x112: {  	[tilespmem:s23], [sflag:$0x2] =	stream.strided.gather @p4 [hbm4b:s16+s3], $0x2000, s7, s3, $0x38;
	[tilespmem:$0xC480] =	vst v63  }
0x113: {  	s8 =	sadd.s32 @p3 s2, s8;
	v16 =	vor.u32 s9, v8;
	s16 =	simm.s32 @p3 $0x2480  }
0x114: {  	[tilespmem:s16], [sflag:$0x2] =	stream.strided.gather @p3 [hbm4b:s8+s0], $0x2000, s5, s0, $0x38;
	[tilespmem:$0xC480] =	vst v63  }
0x115: {  	_ =	swait.ge [sflag:s14], $0x2000  }
0x116: {  	[sflag:s14] =	ssyncset.done $0x0  }
0x117: {  	[sflag:s14] =	ssyncadd.s32 $0xFFFFE000  }
0x118: {  	v16 =	vld.idx.msk [tilespmem:v16+s12+$0x0], $0xffff  }
0x119: {  	v17 =	vor.u32 s9, v9;
	_ =	sdelay $0x3  }
0x11a: {  	[tilespmem:s21+$0x0] =	vst v16  }
0x11b: {  	v16 =	vld.idx.msk [tilespmem:v17+s12+$0x0], $0xffff  }
0x11c: {  	v17 =	vor.u32 s9, v10;
	_ =	sdelay $0x3  }
0x11d: {  	[tilespmem:s21+$0x10] =	vst v16  }
0x11e: {  	v16 =	vld.idx.msk [tilespmem:v17+s12+$0x0], $0xffff  }
0x11f: {  	v17 =	vor.u32 s9, v11;
	_ =	sdelay $0x3  }
0x120: {  	[tilespmem:s21+$0x20] =	vst v16  }
0x121: {  	v16 =	vld.idx.msk [tilespmem:v17+s12+$0x0], $0xffff;
	_ =	sdelay $0x3  }
0x122: {  	s8 =	sand.u32 @p4 $0xFFFFF80, s17  }
0x123: {  	s8 =	sadd.s32 @p4 s1, s8;
	s9 =	simm.s32 @p4 $0x4480;
	[tilespmem:s21+$0x30] =	vst v16  }
0x124: {  	[tilespmem:s9], [sflag:$0x3] =	stream.strided.gather @p4 [hbm4b:s8+s3], $0x2000, s7, s3, $0x38;
	[tilespmem:$0xC480] =	vst v63  }
0x125: {  	s28 =	sand.u32 $0x7F, s26;
	s8 =	sand.u32 @p3 $0xFFFFF80, s17  }
0x126: {  	s16 =	simm.s32 @p3 $0x4480;
	v16 =	vor.u32 s28, v12;
	s8 =	sadd.s32 @p3 s2, s8  }
0x127: {  	[tilespmem:s16], [sflag:$0x3] =	stream.strided.gather @p3 [hbm4b:s8+s0], $0x2000, s5, s0, $0x38;
	[tilespmem:$0xC480] =	vst v63  }
0x128: {  	_ =	swait.ge [sflag:s15], $0x2000  }
0x129: {  	[sflag:s15] =	ssyncset.done $0x0  }
0x12a: {  	[sflag:s15] =	ssyncadd.s32 $0xFFFFE000  }
0x12b: {  	v16 =	vld.idx.msk [tilespmem:v16+s12+$0x0], $0xffff  }
0x12c: {  	v17 =	vor.u32 s28, v13;
	_ =	sdelay $0x3  }
0x12d: {  	[tilespmem:s21+$0x80] =	vst v16  }
0x12e: {  	v16 =	vld.idx.msk [tilespmem:v17+s12+$0x0], $0xffff  }
0x12f: {  	v17 =	vor.u32 s28, v14;
	_ =	sdelay $0x3  }
0x130: {  	[tilespmem:s21+$0x90] =	vst v16  }
0x131: {  	v16 =	vld.idx.msk [tilespmem:v17+s12+$0x0], $0xffff  }
0x132: {  	v17 =	vor.u32 s28, v15;
	_ =	sdelay $0x3  }
0x133: {  	[tilespmem:s21+$0xA0] =	vst v16  }
0x134: {  	v16 =	vld.idx.msk [tilespmem:v17+s12+$0x0], $0xffff;
	_ =	sdelay $0x3  }
0x135: {  	s8 =	sand.u32 @p4 $0xFFFFF80, s4  }
0x136: {  	s9 =	simm.s32 @p4 $0x6480;
	s8 =	sadd.s32 @p4 s1, s8;
	[tilespmem:s21+$0xB0] =	vst v16  }
0x137: {  	[tilespmem:s9], [sflag:$0x4] =	stream.strided.gather @p4 [hbm4b:s8+s3], $0x2000, s7, s3, $0x38;
	[tilespmem:$0xC480] =	vst v63  }
0x138: {  	s29 =	sshll.u32 s20, $0xB;
	s3 =	sand.u32 @p3 $0xFFFFF80, s4  }
0x139: {  	s20 =	sadd.s32 $0x1, s20;
	s4 =	simm.s32 @p3 $0x6480;
	s3 =	sadd.s32 @p3 s2, s3  }
0x13a: {  	[tilespmem:s4], [sflag:$0x4] =	stream.strided.gather @p3 [hbm4b:s3+s0], $0x2000, s5, s0, $0x38;
	[tilespmem:$0xC480] =	vst v63  }
0x13b: {  	s30 =	simm.s32 $0x0;
	p3 =	sne.s32 s20, $0x8  }
.Ltmp1:
0x13c: {  	s31 =	simm.s32 $0x8480;
	s0 =	sadd.s32 s29, s6;
	(pc) =	sbr.rel @p3 .LBB2_2-.Ltmp1, $4  }
0x13d: {  	[hbm4b:s0+s30] =	stream.linear.scatter [tilespmem:s31], [sflag:$0x5], $0x4000, $0x38;
	[tilespmem:$0xC480] =	vst v63  }
0x13e: {  	_ =	swait.ge [sflag:s10], $0x4000  }
0x13f: {  	[sflag:s10] =	ssyncset.done $0x0  }
0x140: {  	s19 =	sadd.s32 $0x80, s19;
	s18 =	sadd.s32 $0x80, s18;
	[sflag:s10] =	ssyncadd.s32 $0xFFFFC000  }
0x141: {  	s3 =	rddreg [dreg:$0x6]  }
0x142: {  	s0 =	rddreg [dreg:$0x5];
	s3 =	sadd.s32 $0x1, s3  }
0x143: {  	p3 =	sne.s32 s3, s0  }
.Ltmp2:
0x144: {  	_ = 	snop;
	(pc) =	sbr.rel @p3 .LBB2_1-.Ltmp2, $1  }
0x145: {  	_ =	sdelay $0x3  }
0x146: {  	_ =	sfence.sel $0x180000  }
0x147: {  	[bflag:$0x0] =	sbarrier.arrive $0xFFFF  }
0x148: {  	_ =	strace $0x90000047  }
0x149: {  	s0 =	stileid.u32;
	[bflag:$0x2] =	sbarrier.arrive $0xFFFF  }
0x14a: {  	p0 =	sne.s32 s0, $0x0;
	s0 =	rddreg [dreg:$0x3]  }
0x14b: {  	s0 =	sadd.s32 @!p0 $0x100000, s0  }
0x14c: {  	[sflag:s0] =	ssyncadd.tile.s32 @!p0 $0x1;
	_ =	shalt  }
.Lfunc_end2:
_tile_overlayer_lowered:
.L_overlay_start_2:
0x14d: {  	(tag) =	ssettag $0x2  }
0x14e: {  	s0 =	rddreg [dreg:$0x0];
	s2 =	stileid.u32  }
0x14f: {  	s1 =	rddreg [dreg:$0x1];
	p0 =	sne.s32 s2, $0x0  }
0x150: {  	s3 =	rddreg [dreg:$0x2];
	[bflag:$0x3] =	sbarrier.arrive $0xFFFF;
	s2 =	simm.s32 @!p0 $0x1C05  }
0x151: {  	[timem:s3], [sflag:s2] =	dma.local @!p0 [hbm:s0], s1  }
0x152: {  	s0 =	simm.s32 @!p0 $0x5  }
0x153: {  	_ =	swait.ge @!p0 [sflag:s0], s1  }
0x154: {  	s1 =	ssub.s32 @!p0 $0x0, s1;
	[sflag:s0] =	ssyncset.done @!p0 $0x0  }
0x155: {  	[sflag:s0] =	ssyncadd.s32 @!p0 s1  }
0x156: {  	[bflag:$0x3] =	sbarrier.arrive $0xFFFF  }
0x157: {  	_ =	shalt  }

</sc_bundles>
